<compile_context>
chip_gen: v7x
topology: tpu7x:2x2x1
jax: 0.10.2.dev20260603
libtpu: 0.0.44.dev20260713+nightly
codegen_flags: <defaults>
</compile_context>

<pallas_src>
import jax
import jax.numpy as jnp
from jax import lax
from jax.experimental import pallas as pl
from jax.experimental.pallas import tpu as pltpu
from jax.experimental.pallas import tpu_sc as plsc

N_USER = 10000
N_ITEM = 40000
N_NODES = N_USER + N_ITEM
D = 64
HALF = 32
N_EDGES = 800000
NC = 2
NS = 16
E_TILE = N_EDGES // NS
SB_E = 512
E_PAD = 50176
N_SB = E_PAD // SB_E
CHUNK = 128
SB_CH = SB_E // CHUNK
N_CHUNK = E_PAD // CHUNK
NBUF = 6
LA = 4
NMETA = 3
DROWS = NS * E_PAD // CHUNK
RCHUNK = 80
N_RCHUNK = N_NODES // RCHUNK
RC_Z = 400
N_RC_Z = N_NODES // RC_Z


def _body(src, dst, vals, ego, zeros_hbm, final_out, e1_out, e2_out,
          acc, srcB, dstB, valB, rows,
          sem_m, sem_g, sem_s):
  c = lax.axis_index("c")
  s = lax.axis_index("s")
  coff = c * N_NODES
  tbase = s * E_PAD
  sbase = (c * NS + s) * E_PAD
  dbase = s * (E_PAD // CHUNK)
  third = jnp.float32(1.0 / 3.0)

  n_rc = (N_RCHUNK // NS) + jnp.where(s < N_RCHUNK % NS, 1, 0)
  n_rcz = (N_RC_Z // NS) + jnp.where(s < N_RC_Z % NS, 1, 0)

  def meta_args(sb, parity):
    o = parity * SB_E
    r0 = dbase + sb * SB_CH
    return (
        (src.at[pl.ds(sbase + sb * SB_E, SB_E)],
         srcB.at[pl.ds(o, SB_E)], sem_m.at[parity]),
        (dst.at[pl.ds(r0, SB_CH)],
         dstB.at[pl.ds(parity * SB_CH, SB_CH)], sem_m.at[parity]),
        (vals.at[pl.ds(tbase + sb * SB_E, SB_E)],
         valB.at[pl.ds(o, SB_E)], sem_m.at[parity]),
    )

  def issue_meta(sb, parity):
    for a in meta_args(sb, parity):
      pltpu.async_copy(*a)

  def wait_meta(sb, parity):
    for a in meta_args(sb, parity):
      pltpu.make_async_copy(*a).wait()

  def layer(tab_in, tab_out, last):
    def zero_issue(k, _):
      r0 = (s + k * NS) * RC_Z
      pltpu.async_copy(zeros_hbm, acc.at[pl.ds(r0, RC_Z)], sem_m.at[0])
      return 0
    lax.fori_loop(0, n_rcz, zero_issue, 0)
    def zero_wait(k, _):
      r0 = (s + k * NS) * RC_Z
      pltpu.make_async_copy(zeros_hbm, acc.at[pl.ds(r0, RC_Z)],
                            sem_m.at[0]).wait()
      return 0
    lax.fori_loop(0, n_rcz, zero_wait, 0)
    plsc.subcore_barrier()

    def _moff(i):
      return ((i // SB_CH) % NMETA) * SB_E + (i % SB_CH) * CHUNK

    def _drow(i):
      return ((i // SB_CH) % NMETA) * SB_CH + (i % SB_CH)

    def stage_a(i):
      b = i % NBUF
      pltpu.async_copy(tab_in.at[srcB.at[pl.ds(_moff(i), CHUNK)]],
                       rows.at[b], sem_g.at[b])

    def wait_gather(i):
      b = i % NBUF
      pltpu.make_async_copy(tab_in.at[srcB.at[pl.ds(_moff(i), CHUNK)]],
                            rows.at[b], sem_g.at[b]).wait()

    def start_scatter(i):
      b = i % NBUF
      pltpu.async_copy(rows.at[b], acc.at[dstB.at[_drow(i)]],
                       sem_s.at[b], add=True)

    def wait_scatter(i):
      b = i % NBUF
      pltpu.make_async_copy(rows.at[b], acc.at[dstB.at[_drow(i)]],
                            sem_s.at[b]).wait()

    def stage_b(i):
      b = i % NBUF
      moff = _moff(i)
      wait_gather(i)
      def scale(g, _):
        v16 = valB[pl.ds(moff + g * 16, 16)]
        for l in range(16):
          e = g * 16 + l
          v = v16[l]
          rows[b, e, pl.ds(0, 16)] = rows[b, e, pl.ds(0, 16)] * v
          rows[b, e, pl.ds(16, 16)] = rows[b, e, pl.ds(16, 16)] * v
        return 0
      lax.fori_loop(0, CHUNK // 16, scale, 0)
      start_scatter(i)

    def chunk_body(i, _):
      sb = i // SB_CH
      @pl.when(i % SB_CH == 0)
      def _():
        @pl.when(sb + 1 < N_SB)
        def _():
          issue_meta(sb + 1, (sb + 1) % NMETA)
        wait_meta(sb, sb % NMETA)
      @pl.when(i >= NBUF)
      def _():
        wait_scatter(i - NBUF)
      stage_a(i)
      @pl.when(i >= LA)
      def _():
        stage_b(i - LA)
      return 0

    plsc.subcore_barrier()
    if not last:
      def pub_issue(k, _):
        r0 = (s + k * NS) * RC_Z
        pltpu.async_copy(acc.at[pl.ds(r0, RC_Z)],
                         tab_out.at[pl.ds(coff + r0, RC_Z)], sem_m.at[1])
        return 0
      lax.fori_loop(0, n_rcz, pub_issue, 0)
      def pub_wait(k, _):
        r0 = (s + k * NS) * RC_Z
        pltpu.make_async_copy(acc.at[pl.ds(r0, RC_Z)],
                              tab_out.at[pl.ds(coff + r0, RC_Z)],
                              sem_m.at[1]).wait()
        return 0
      lax.fori_loop(0, n_rcz, pub_wait, 0)
      plsc.subcore_barrier()
    else:
      def m_load(k, slot):
        r0 = (s + k * NS) * RCHUNK
        pltpu.async_copy(e1_out.at[pl.ds(coff + r0, RCHUNK)],
                         rows.at[slot, pl.ds(0, RCHUNK)], sem_g.at[slot])
        pltpu.async_copy(e2_out.at[pl.ds(coff + r0, RCHUNK)],
                         rows.at[slot + 1, pl.ds(0, RCHUNK)],
                         sem_g.at[slot + 1])
        pltpu.async_copy(acc.at[pl.ds(r0, RCHUNK)],
                         rows.at[slot + 2, pl.ds(0, RCHUNK)],
                         sem_g.at[slot + 2])

      def m_wait_load(k, slot):
        r0 = (s + k * NS) * RCHUNK
        pltpu.make_async_copy(e1_out.at[pl.ds(coff + r0, RCHUNK)],
                              rows.at[slot, pl.ds(0, RCHUNK)],
                              sem_g.at[slot]).wait()
        pltpu.make_async_copy(e2_out.at[pl.ds(coff + r0, RCHUNK)],
                              rows.at[slot + 1, pl.ds(0, RCHUNK)],
                              sem_g.at[slot + 1]).wait()
        pltpu.make_async_copy(acc.at[pl.ds(r0, RCHUNK)],
                              rows.at[slot + 2, pl.ds(0, RCHUNK)],
                              sem_g.at[slot + 2]).wait()

      def m_store(k, slot):
        r0 = (s + k * NS) * RCHUNK
        pltpu.async_copy(rows.at[slot, pl.ds(0, RCHUNK)],
                         final_out.at[pl.ds(coff + r0, RCHUNK)],
                         sem_s.at[slot])

      def m_wait_store(k, slot):
        r0 = (s + k * NS) * RCHUNK
        pltpu.make_async_copy(rows.at[slot, pl.ds(0, RCHUNK)],
                              final_out.at[pl.ds(coff + r0, RCHUNK)],
                              sem_s.at[slot]).wait()

      @pl.when(n_rc >= 1)
      def _():
        m_load(0, 0)
      def mean_body(k, _):
        slot = 3 * (k % 2)
        nslot = 3 - slot
        @pl.when(k + 1 < n_rc)
        def _():
          @pl.when(k >= 1)
          def _():
            m_wait_store(k - 1, nslot)
          m_load(k + 1, nslot)
        m_wait_load(k, slot)
        def mrow(rr, _):
          for j in range(HALF // 16):
            sl = pl.ds(j * 16, 16)
            rows[slot, rr, sl] = (rows[slot, rr, sl] + rows[slot + 1, rr, sl]
                                  + rows[slot + 2, rr, sl]) * third
          return 0
        lax.fori_loop(0, RCHUNK, mrow, 0)
        m_store(k, slot)
        return 0
      lax.fori_loop(0, n_rc, mean_body, 0)
      @pl.when(n_rc >= 2)
      def _():
        m_wait_store(n_rc - 2, 3 * ((n_rc - 2) % 2))
      @pl.when(n_rc >= 1)
      def _():
        m_wait_store(n_rc - 1, 3 * ((n_rc - 1) % 2))

  layer(ego, e1_out, False)
  layer(e1_out, e2_out, False)
  layer(e2_out, None, True)


@jax.jit
def _run(src, dst, adj_values, ego_half, zeros_hbm):
  mesh = plsc.VectorSubcoreMesh(core_axis_name="c", subcore_axis_name="s")
  f = pl.kernel(
      _body,
      out_type=[
          jax.ShapeDtypeStruct((NC * N_NODES, HALF), jnp.float32),
          jax.ShapeDtypeStruct((NC * N_NODES, HALF), jnp.float32),
          jax.ShapeDtypeStruct((NC * N_NODES, HALF), jnp.float32),
      ],
      mesh=mesh,
      compiler_params=pltpu.CompilerParams(use_tc_tiling_on_sc=False),
      scratch_types=[
          pltpu.VMEM_SHARED((N_NODES, HALF), jnp.float32),
          pltpu.VMEM((NMETA * SB_E,), jnp.int32),
          pltpu.VMEM((NMETA * SB_CH, CHUNK), jnp.int32),
          pltpu.VMEM((NMETA * SB_E,), jnp.float32),
          pltpu.VMEM((NBUF, CHUNK, HALF), jnp.float32),
          pltpu.SemaphoreType.DMA((NMETA,)),
          pltpu.SemaphoreType.DMA((NBUF,)),
          pltpu.SemaphoreType.DMA((NBUF,)),
      ],
  )
  final, _, _ = f(src, dst, adj_values, ego_half, zeros_hbm)
  return final


def _pad_edges(x):
  return jnp.pad(x.reshape(NS, E_TILE), ((0, 0), (0, E_PAD - E_TILE)))


def kernel(adj_indices, adj_values, user_emb, item_emb):
  ego = jnp.concatenate([user_emb, item_emb], axis=0)
  ego_half = jnp.concatenate([ego[:, :HALF], ego[:, HALF:]], axis=0)
  zeros_hbm = jnp.zeros((RC_Z, HALF), jnp.float32)
  src_t = _pad_edges(adj_indices[0])
  srcp = jnp.stack([src_t, src_t + N_NODES]).reshape(-1)
  dstp = _pad_edges(adj_indices[1]).reshape(DROWS, CHUNK)
  valp = _pad_edges(adj_values).reshape(-1)
  half = _run(srcp, dstp, valp, ego_half, zeros_hbm)
  final = jnp.concatenate([half[:N_NODES], half[N_NODES:]], axis=1)
  return (final[:N_USER], final[N_USER:])

# --- scband reference (transcript-rebuilt; emitter-appended) ---
"""Pipeline reference for scband-xsim-gcl-encoder-33217277067601 (READ-ONLY COPY).

The authoritative reference and input builder live on the scoring server;
editing this copy changes nothing except your own understanding.
"""

import jax, jax.numpy as jnp
import numpy as np

USER_NUM = 10000
ITEM_NUM = 40000
EMB_SIZE = 64
N_EDGES = 800000
N_LAYERS = 3
LAYER_CL = 1
EPS = 0.2


def setup_inputs(seed: int = 0) -> dict:
    key = jax.random.key(seed)
    k1, k2, k3, k4 = jax.random.split(key, 4)
    n_nodes = USER_NUM + ITEM_NUM
    adj_indices = jax.random.randint(k1, (2, N_EDGES), 0, n_nodes, dtype=jnp.int32)
    adj_values = jax.random.uniform(k2, (N_EDGES,), dtype=jnp.float32) * (1.0 / 16.0)
    # xavier_uniform-ish init for the embedding tables (learned params)
    bound_u = float(np.sqrt(6.0 / (USER_NUM + EMB_SIZE)))
    bound_i = float(np.sqrt(6.0 / (ITEM_NUM + EMB_SIZE)))
    user_emb = jax.random.uniform(k3, (USER_NUM, EMB_SIZE), dtype=jnp.float32, minval=-bound_u, maxval=bound_u)
    item_emb = jax.random.uniform(k4, (ITEM_NUM, EMB_SIZE), dtype=jnp.float32, minval=-bound_i, maxval=bound_i)
    return {"adj_indices": adj_indices, "adj_values": adj_values, "user_emb": user_emb, "item_emb": item_emb}


def _spmm(adj_indices, adj_values, x, n_nodes):
    # torch.sparse.mm(sparse_norm_adj, x): out[dst] += val * x[src]
    src = adj_indices[0]
    dst = adj_indices[1]
    gathered = jnp.take(x, src, axis=0) * adj_values[:, None]
    return jax.ops.segment_sum(gathered, dst, num_segments=n_nodes)


def reference(adj_indices, adj_values, user_emb, item_emb):
    n_nodes = USER_NUM + ITEM_NUM
    ego = jnp.concatenate([user_emb, item_emb], axis=0)
    all_embeddings = []
    all_embeddings_cl = ego
    for k in range(N_LAYERS):
        ego = _spmm(adj_indices, adj_values, ego, n_nodes)
        # perturbed=False path: no noise injection
        all_embeddings.append(ego)
        if k == LAYER_CL - 1:
            all_embeddings_cl = ego
    final_embeddings = jnp.mean(jnp.stack(all_embeddings, axis=1), axis=1)
    user_all = final_embeddings[:USER_NUM]
    item_all = final_embeddings[USER_NUM:]
    return (user_all, item_all)

if __name__ == "__main__":
    import jax
    _d = setup_inputs()
    print(jax.jit(kernel)(*tuple(_d.values())))

</pallas_src>

<mosaic_0001>
#map = affine_map<(d0, d1) -> (0)>
#map1 = affine_map<(d0, d1) -> (0, 0)>
module attributes {stable_mosaic.version = 14 : i64} {
  func.func @_body(%arg0: i32, %arg1: i32, %arg2: memref<1605632xi32, #tpu.memory_space<hbm>>, %arg3: memref<6272x128xi32, #tpu.memory_space<hbm>>, %arg4: memref<802816xf32, #tpu.memory_space<hbm>>, %arg5: memref<100000x32xf32, #tpu.memory_space<hbm>>, %arg6: memref<400x32xf32, #tpu.memory_space<hbm>>, %arg7: memref<100000x32xf32, #tpu.memory_space<hbm>>, %arg8: memref<100000x32xf32, #tpu.memory_space<hbm>>, %arg9: memref<100000x32xf32, #tpu.memory_space<hbm>>, %arg10: memref<50000x32xf32, #tpu.memory_space<vmem_shared>>, %arg11: memref<1536xi32, #tpu.memory_space<vmem>>, %arg12: memref<12x128xi32, #tpu.memory_space<vmem>>, %arg13: memref<1536xf32, #tpu.memory_space<vmem>>, %arg14: memref<6x128x32xf32, #tpu.memory_space<vmem>>, %arg15: memref<3x!tpu.dma_semaphore, #tpu.memory_space<semaphore_mem>>, %arg16: memref<6x!tpu.dma_semaphore, #tpu.memory_space<semaphore_mem>>, %arg17: memref<6x!tpu.dma_semaphore, #tpu.memory_space<semaphore_mem>>) attributes {dimension_semantics = [#tpu.dimension_semantics<core_parallel>, #tpu.dimension_semantics<subcore_parallel>], iteration_bounds = array<i64: 2, 16>, scalar_prefetch = 0 : i64, scratch_operands = 8 : i64, tpu.core_type = #tpu.core_type<sc_vector_subcore>, window_params = [{transform_indices = #map}, {transform_indices = #map1}, {transform_indices = #map}, {transform_indices = #map1}, {transform_indices = #map1}, {transform_indices = #map1}, {transform_indices = #map1}, {transform_indices = #map1}]} {
    %mul3A = arith.constant 50000 : i32
    %mul3A_0 = arith.muli %arg0, %mul3A : i32
    %mul3A_1 = arith.constant 50176 : i32
    %mul3A_2 = arith.muli %arg1, %mul3A_1 : i32
    %mul3A_3 = arith.constant 16 : i32
    %mul3A_4 = arith.muli %arg0, %mul3A_3 : i32
    %add3A = arith.addi %mul3A_4, %arg1 : i32
    %mul3A_5 = arith.constant 50176 : i32
    %mul3A_6 = arith.muli %add3A, %mul3A_5 : i32
    %mul3A_7 = arith.constant 392 : i32
    %mul3A_8 = arith.muli %arg1, %mul3A_7 : i32
    %lt3A = arith.constant 1 : i32
    %lt3A_9 = arith.cmpi slt, %arg1, %lt3A : i32
    %jit3A = arith.constant 1 : i32
    %jit3A_10 = arith.constant 0 : i32
    %select_n3A = arith.select %lt3A_9, %jit3A, %jit3A_10 : i32
    %add3A_11 = arith.constant 39 : i32
    %add3A_12 = arith.addi %add3A_11, %select_n3A : i32
    %lt3A_13 = arith.constant 13 : i32
    %lt3A_14 = arith.cmpi slt, %arg1, %lt3A_13 : i32
    %jit3A_15 = arith.constant 1 : i32
    %jit3A_16 = arith.constant 0 : i32
    %select_n3A_17 = arith.select %lt3A_14, %jit3A_15, %jit3A_16 : i32
    %add3A_18 = arith.constant 7 : i32
    %add3A_19 = arith.addi %add3A_18, %select_n3A_17 : i32
    %while3A = arith.constant 0 : i32
    %while3A_20 = arith.constant 0 : i32
    %while3A_21 = arith.subi %add3A_19, %while3A : i32
    %while3A_22 = arith.addi %while3A, %while3A_21 : i32
    %while3A_23 = arith.constant 1 : i32
    %while3A_24 = arith.divsi %while3A_21, %while3A_23 : i32
    %while3A_25 = arith.muli %while3A_24, %while3A_23 : i32
    %while3A_26 = arith.addi %while3A, %while3A_25 : i32
    %while3A_27 = arith.constant 1 : i32
    %while3A_28 = scf.for %while3A_171 = %while3A to %while3A_26 step %while3A_27 iter_args(%while3A_172 = %while3A_20) -> (i32)  : i32 {
      %mul3A_173 = arith.constant 16 : i32
      %mul3A_174 = arith.muli %while3A_171, %mul3A_173 : i32
      %add3A_175 = arith.addi %arg1, %mul3A_174 : i32
      %mul3A_176 = arith.constant 400 : i32
      %mul3A_177 = arith.muli %add3A_175, %mul3A_176 : i32
      %dma_start3A = arith.constant 0 : i32
      %dma_start3A_178 = tpu.memref_slice %arg15[%dma_start3A] : memref<3x!tpu.dma_semaphore, #tpu.memory_space<semaphore_mem>> -> memref<1x!tpu.dma_semaphore, #tpu.memory_space<semaphore_mem>>
      %dma_start3A_179 = tpu.memref_squeeze %dma_start3A_178 : memref<1x!tpu.dma_semaphore, #tpu.memory_space<semaphore_mem>> -> memref<!tpu.dma_semaphore, #tpu.memory_space<semaphore_mem>>
      %dma_start3A_180 = arith.constant 0 : i32
      %dma_start3A_181 = tpu.memref_slice %arg10[%mul3A_177, %dma_start3A_180] : memref<50000x32xf32, #tpu.memory_space<vmem_shared>> -> memref<400x32xf32, #tpu.memory_space<vmem_shared>>
      tpu.enqueue_dma source(%arg6 : memref<400x32xf32, #tpu.memory_space<hbm>>) target(%dma_start3A_181 : memref<400x32xf32, #tpu.memory_space<vmem_shared>>) target_semaphore(%dma_start3A_179 : memref<!tpu.dma_semaphore, #tpu.memory_space<semaphore_mem>>)
      %while3A_182 = arith.constant 0 : i32
      scf.yield %while3A_182 : i32
    }
    %while3A_29 = arith.constant 1 : i32
    %while3A_30 = scf.for %while3A_171 = %while3A_26 to %while3A_22 step %while3A_29 iter_args(%while3A_172 = %while3A_28) -> (i32)  : i32 {
      %mul3A_173 = arith.constant 16 : i32
      %mul3A_174 = arith.muli %while3A_171, %mul3A_173 : i32
      %add3A_175 = arith.addi %arg1, %mul3A_174 : i32
      %mul3A_176 = arith.constant 400 : i32
      %mul3A_177 = arith.muli %add3A_175, %mul3A_176 : i32
      %dma_start3A = arith.constant 0 : i32
      %dma_start3A_178 = tpu.memref_slice %arg15[%dma_start3A] : memref<3x!tpu.dma_semaphore, #tpu.memory_space<semaphore_mem>> -> memref<1x!tpu.dma_semaphore, #tpu.memory_space<semaphore_mem>>
      %dma_start3A_179 = tpu.memref_squeeze %dma_start3A_178 : memref<1x!tpu.dma_semaphore, #tpu.memory_space<semaphore_mem>> -> memref<!tpu.dma_semaphore, #tpu.memory_space<semaphore_mem>>
      %dma_start3A_180 = arith.constant 0 : i32
      %dma_start3A_181 = tpu.memref_slice %arg10[%mul3A_177, %dma_start3A_180] : memref<50000x32xf32, #tpu.memory_space<vmem_shared>> -> memref<400x32xf32, #tpu.memory_space<vmem_shared>>
      tpu.enqueue_dma source(%arg6 : memref<400x32xf32, #tpu.memory_space<hbm>>) target(%dma_start3A_181 : memref<400x32xf32, #tpu.memory_space<vmem_shared>>) target_semaphore(%dma_start3A_179 : memref<!tpu.dma_semaphore, #tpu.memory_space<semaphore_mem>>)
      %while3A_182 = arith.constant 0 : i32
      scf.yield %while3A_182 : i32
    }
    %while3A_31 = arith.constant 0 : i32
    %while3A_32 = arith.constant 0 : i32
    %while3A_33 = arith.subi %add3A_19, %while3A_31 : i32
    %while3A_34 = arith.addi %while3A_31, %while3A_33 : i32
    %while3A_35 = arith.constant 1 : i32
    %while3A_36 = arith.divsi %while3A_33, %while3A_35 : i32
    %while3A_37 = arith.muli %while3A_36, %while3A_35 : i32
    %while3A_38 = arith.addi %while3A_31, %while3A_37 : i32
    %while3A_39 = arith.constant 1 : i32
    %while3A_40 = scf.for %while3A_171 = %while3A_31 to %while3A_38 step %while3A_39 iter_args(%while3A_172 = %while3A_32) -> (i32)  : i32 {
      %mul3A_173 = arith.constant 16 : i32
      %mul3A_174 = arith.muli %while3A_171, %mul3A_173 : i32
      %add3A_175 = arith.addi %arg1, %mul3A_174 : i32
      %mul3A_176 = arith.constant 400 : i32
      %mul3A_177 = arith.muli %add3A_175, %mul3A_176 : i32
      %dma_wait3A = arith.constant 0 : i32
      %dma_wait3A_178 = tpu.memref_slice %arg15[%dma_wait3A] : memref<3x!tpu.dma_semaphore, #tpu.memory_space<semaphore_mem>> -> memref<1x!tpu.dma_semaphore, #tpu.memory_space<semaphore_mem>>
      %dma_wait3A_179 = tpu.memref_squeeze %dma_wait3A_178 : memref<1x!tpu.dma_semaphore, #tpu.memory_space<semaphore_mem>> -> memref<!tpu.dma_semaphore, #tpu.memory_space<semaphore_mem>>
      %dma_wait3A_180 = arith.constant 0 : i32
      %dma_wait3A_181 = tpu.memref_slice %arg10[%mul3A_177, %dma_wait3A_180] : memref<50000x32xf32, #tpu.memory_space<vmem_shared>> -> memref<400x32xf32, #tpu.memory_space<vmem_shared>>
      tpu.wait_dma2 semaphore(%dma_wait3A_179 : memref<!tpu.dma_semaphore, #tpu.memory_space<semaphore_mem>>) src(%arg6 : memref<400x32xf32, #tpu.memory_space<hbm>>) dst(%dma_wait3A_181 : memref<400x32xf32, #tpu.memory_space<vmem_shared>>)
      %while3A_182 = arith.constant 0 : i32
      scf.yield %while3A_182 : i32
    }
    %while3A_41 = arith.constant 1 : i32
    %while3A_42 = scf.for %while3A_171 = %while3A_38 to %while3A_34 step %while3A_41 iter_args(%while3A_172 = %while3A_40) -> (i32)  : i32 {
      %mul3A_173 = arith.constant 16 : i32
      %mul3A_174 = arith.muli %while3A_171, %mul3A_173 : i32
      %add3A_175 = arith.addi %arg1, %mul3A_174 : i32
      %mul3A_176 = arith.constant 400 : i32
      %mul3A_177 = arith.muli %add3A_175, %mul3A_176 : i32
      %dma_wait3A = arith.constant 0 : i32
      %dma_wait3A_178 = tpu.memref_slice %arg15[%dma_wait3A] : memref<3x!tpu.dma_semaphore, #tpu.memory_space<semaphore_mem>> -> memref<1x!tpu.dma_semaphore, #tpu.memory_space<semaphore_mem>>
      %dma_wait3A_179 = tpu.memref_squeeze %dma_wait3A_178 : memref<1x!tpu.dma_semaphore, #tpu.memory_space<semaphore_mem>> -> memref<!tpu.dma_semaphore, #tpu.memory_space<semaphore_mem>>
      %dma_wait3A_180 = arith.constant 0 : i32
      %dma_wait3A_181 = tpu.memref_slice %arg10[%mul3A_177, %dma_wait3A_180] : memref<50000x32xf32, #tpu.memory_space<vmem_shared>> -> memref<400x32xf32, #tpu.memory_space<vmem_shared>>
      tpu.wait_dma2 semaphore(%dma_wait3A_179 : memref<!tpu.dma_semaphore, #tpu.memory_space<semaphore_mem>>) src(%arg6 : memref<400x32xf32, #tpu.memory_space<hbm>>) dst(%dma_wait3A_181 : memref<400x32xf32, #tpu.memory_space<vmem_shared>>)
      %while3A_182 = arith.constant 0 : i32
      scf.yield %while3A_182 : i32
    }
    %barrier3A = arith.constant 0 : index
    tpu.barrier barrier_id(%barrier3A)
    %barrier3A_43 = arith.constant 0 : index
    tpu.barrier barrier_id(%barrier3A_43)
    %while3A_44 = arith.constant 0 : i32
    %while3A_45 = arith.constant 0 : i32
    %while3A_46 = arith.subi %add3A_19, %while3A_44 : i32
    %while3A_47 = arith.addi %while3A_44, %while3A_46 : i32
    %while3A_48 = arith.constant 1 : i32
    %while3A_49 = arith.divsi %while3A_46, %while3A_48 : i32
    %while3A_50 = arith.muli %while3A_49, %while3A_48 : i32
    %while3A_51 = arith.addi %while3A_44, %while3A_50 : i32
    %while3A_52 = arith.constant 1 : i32
    %while3A_53 = scf.for %while3A_171 = %while3A_44 to %while3A_51 step %while3A_52 iter_args(%while3A_172 = %while3A_45) -> (i32)  : i32 {
      %mul3A_173 = arith.constant 16 : i32
      %mul3A_174 = arith.muli %while3A_171, %mul3A_173 : i32
      %add3A_175 = arith.addi %arg1, %mul3A_174 : i32
      %mul3A_176 = arith.constant 400 : i32
      %mul3A_177 = arith.muli %add3A_175, %mul3A_176 : i32
      %add3A_178 = arith.addi %mul3A_0, %mul3A_177 : i32
      %dma_start3A = arith.constant 1 : i32
      %dma_start3A_179 = tpu.memref_slice %arg15[%dma_start3A] : memref<3x!tpu.dma_semaphore, #tpu.memory_space<semaphore_mem>> -> memref<1x!tpu.dma_semaphore, #tpu.memory_space<semaphore_mem>>
      %dma_start3A_180 = tpu.memref_squeeze %dma_start3A_179 : memref<1x!tpu.dma_semaphore, #tpu.memory_space<semaphore_mem>> -> memref<!tpu.dma_semaphore, #tpu.memory_space<semaphore_mem>>
      %dma_start3A_181 = arith.constant 0 : i32
      %dma_start3A_182 = tpu.memref_slice %arg8[%add3A_178, %dma_start3A_181] : memref<100000x32xf32, #tpu.memory_space<hbm>> -> memref<400x32xf32, #tpu.memory_space<hbm>>
      %dma_start3A_183 = arith.constant 0 : i32
      %dma_start3A_184 = tpu.memref_slice %arg10[%mul3A_177, %dma_start3A_183] : memref<50000x32xf32, #tpu.memory_space<vmem_shared>> -> memref<400x32xf32, #tpu.memory_space<vmem_shared>>
      tpu.enqueue_dma source(%dma_start3A_184 : memref<400x32xf32, #tpu.memory_space<vmem_shared>>) target(%dma_start3A_182 : memref<400x32xf32, #tpu.memory_space<hbm>>) target_semaphore(%dma_start3A_180 : memref<!tpu.dma_semaphore, #tpu.memory_space<semaphore_mem>>)
      %while3A_185 = arith.constant 0 : i32
      scf.yield %while3A_185 : i32
    }
    %while3A_54 = arith.constant 1 : i32
    %while3A_55 = scf.for %while3A_171 = %while3A_51 to %while3A_47 step %while3A_54 iter_args(%while3A_172 = %while3A_53) -> (i32)  : i32 {
      %mul3A_173 = arith.constant 16 : i32
      %mul3A_174 = arith.muli %while3A_171, %mul3A_173 : i32
      %add3A_175 = arith.addi %arg1, %mul3A_174 : i32
      %mul3A_176 = arith.constant 400 : i32
      %mul3A_177 = arith.muli %add3A_175, %mul3A_176 : i32
      %add3A_178 = arith.addi %mul3A_0, %mul3A_177 : i32
      %dma_start3A = arith.constant 1 : i32
      %dma_start3A_179 = tpu.memref_slice %arg15[%dma_start3A] : memref<3x!tpu.dma_semaphore, #tpu.memory_space<semaphore_mem>> -> memref<1x!tpu.dma_semaphore, #tpu.memory_space<semaphore_mem>>
      %dma_start3A_180 = tpu.memref_squeeze %dma_start3A_179 : memref<1x!tpu.dma_semaphore, #tpu.memory_space<semaphore_mem>> -> memref<!tpu.dma_semaphore, #tpu.memory_space<semaphore_mem>>
      %dma_start3A_181 = arith.constant 0 : i32
      %dma_start3A_182 = tpu.memref_slice %arg8[%add3A_178, %dma_start3A_181] : memref<100000x32xf32, #tpu.memory_space<hbm>> -> memref<400x32xf32, #tpu.memory_space<hbm>>
      %dma_start3A_183 = arith.constant 0 : i32
      %dma_start3A_184 = tpu.memref_slice %arg10[%mul3A_177, %dma_start3A_183] : memref<50000x32xf32, #tpu.memory_space<vmem_shared>> -> memref<400x32xf32, #tpu.memory_space<vmem_shared>>
      tpu.enqueue_dma source(%dma_start3A_184 : memref<400x32xf32, #tpu.memory_space<vmem_shared>>) target(%dma_start3A_182 : memref<400x32xf32, #tpu.memory_space<hbm>>) target_semaphore(%dma_start3A_180 : memref<!tpu.dma_semaphore, #tpu.memory_space<semaphore_mem>>)
      %while3A_185 = arith.constant 0 : i32
      scf.yield %while3A_185 : i32
    }
    %while3A_56 = arith.constant 0 : i32
    %while3A_57 = arith.constant 0 : i32
    %while3A_58 = arith.subi %add3A_19, %while3A_56 : i32
    %while3A_59 = arith.addi %while3A_56, %while3A_58 : i32
    %while3A_60 = arith.constant 1 : i32
    %while3A_61 = arith.divsi %while3A_58, %while3A_60 : i32
    %while3A_62 = arith.muli %while3A_61, %while3A_60 : i32
    %while3A_63 = arith.addi %while3A_56, %while3A_62 : i32
    %while3A_64 = arith.constant 1 : i32
    %while3A_65 = scf.for %while3A_171 = %while3A_56 to %while3A_63 step %while3A_64 iter_args(%while3A_172 = %while3A_57) -> (i32)  : i32 {
      %mul3A_173 = arith.constant 16 : i32
      %mul3A_174 = arith.muli %while3A_171, %mul3A_173 : i32
      %add3A_175 = arith.addi %arg1, %mul3A_174 : i32
      %mul3A_176 = arith.constant 400 : i32
      %mul3A_177 = arith.muli %add3A_175, %mul3A_176 : i32
      %add3A_178 = arith.addi %mul3A_0, %mul3A_177 : i32
      %dma_wait3A = arith.constant 1 : i32
      %dma_wait3A_179 = tpu.memref_slice %arg15[%dma_wait3A] : memref<3x!tpu.dma_semaphore, #tpu.memory_space<semaphore_mem>> -> memref<1x!tpu.dma_semaphore, #tpu.memory_space<semaphore_mem>>
      %dma_wait3A_180 = tpu.memref_squeeze %dma_wait3A_179 : memref<1x!tpu.dma_semaphore, #tpu.memory_space<semaphore_mem>> -> memref<!tpu.dma_semaphore, #tpu.memory_space<semaphore_mem>>
      %dma_wait3A_181 = arith.constant 0 : i32
      %dma_wait3A_182 = tpu.memref_slice %arg8[%add3A_178, %dma_wait3A_181] : memref<100000x32xf32, #tpu.memory_space<hbm>> -> memref<400x32xf32, #tpu.memory_space<hbm>>
      %dma_wait3A_183 = arith.constant 0 : i32
      %dma_wait3A_184 = tpu.memref_slice %arg10[%mul3A_177, %dma_wait3A_183] : memref<50000x32xf32, #tpu.memory_space<vmem_shared>> -> memref<400x32xf32, #tpu.memory_space<vmem_shared>>
      tpu.wait_dma2 semaphore(%dma_wait3A_180 : memref<!tpu.dma_semaphore, #tpu.memory_space<semaphore_mem>>) src(%dma_wait3A_184 : memref<400x32xf32, #tpu.memory_space<vmem_shared>>) dst(%dma_wait3A_182 : memref<400x32xf32, #tpu.memory_space<hbm>>)
      %while3A_185 = arith.constant 0 : i32
      scf.yield %while3A_185 : i32
    }
    %while3A_66 = arith.constant 1 : i32
    %while3A_67 = scf.for %while3A_171 = %while3A_63 to %while3A_59 step %while3A_66 iter_args(%while3A_172 = %while3A_65) -> (i32)  : i32 {
      %mul3A_173 = arith.constant 16 : i32
      %mul3A_174 = arith.muli %while3A_171, %mul3A_173 : i32
      %add3A_175 = arith.addi %arg1, %mul3A_174 : i32
      %mul3A_176 = arith.constant 400 : i32
      %mul3A_177 = arith.muli %add3A_175, %mul3A_176 : i32
      %add3A_178 = arith.addi %mul3A_0, %mul3A_177 : i32
      %dma_wait3A = arith.constant 1 : i32
      %dma_wait3A_179 = tpu.memref_slice %arg15[%dma_wait3A] : memref<3x!tpu.dma_semaphore, #tpu.memory_space<semaphore_mem>> -> memref<1x!tpu.dma_semaphore, #tpu.memory_space<semaphore_mem>>
      %dma_wait3A_180 = tpu.memref_squeeze %dma_wait3A_179 : memref<1x!tpu.dma_semaphore, #tpu.memory_space<semaphore_mem>> -> memref<!tpu.dma_semaphore, #tpu.memory_space<semaphore_mem>>
      %dma_wait3A_181 = arith.constant 0 : i32
      %dma_wait3A_182 = tpu.memref_slice %arg8[%add3A_178, %dma_wait3A_181] : memref<100000x32xf32, #tpu.memory_space<hbm>> -> memref<400x32xf32, #tpu.memory_space<hbm>>
      %dma_wait3A_183 = arith.constant 0 : i32
      %dma_wait3A_184 = tpu.memref_slice %arg10[%mul3A_177, %dma_wait3A_183] : memref<50000x32xf32, #tpu.memory_space<vmem_shared>> -> memref<400x32xf32, #tpu.memory_space<vmem_shared>>
      tpu.wait_dma2 semaphore(%dma_wait3A_180 : memref<!tpu.dma_semaphore, #tpu.memory_space<semaphore_mem>>) src(%dma_wait3A_184 : memref<400x32xf32, #tpu.memory_space<vmem_shared>>) dst(%dma_wait3A_182 : memref<400x32xf32, #tpu.memory_space<hbm>>)
      %while3A_185 = arith.constant 0 : i32
      scf.yield %while3A_185 : i32
    }
    %barrier3A_68 = arith.constant 0 : index
    tpu.barrier barrier_id(%barrier3A_68)
    %while3A_69 = arith.constant 0 : i32
    %while3A_70 = arith.constant 0 : i32
    %while3A_71 = arith.subi %add3A_19, %while3A_69 : i32
    %while3A_72 = arith.addi %while3A_69, %while3A_71 : i32
    %while3A_73 = arith.constant 1 : i32
    %while3A_74 = arith.divsi %while3A_71, %while3A_73 : i32
    %while3A_75 = arith.muli %while3A_74, %while3A_73 : i32
    %while3A_76 = arith.addi %while3A_69, %while3A_75 : i32
    %while3A_77 = arith.constant 1 : i32
    %while3A_78 = scf.for %while3A_171 = %while3A_69 to %while3A_76 step %while3A_77 iter_args(%while3A_172 = %while3A_70) -> (i32)  : i32 {
      %mul3A_173 = arith.constant 16 : i32
      %mul3A_174 = arith.muli %while3A_171, %mul3A_173 : i32
      %add3A_175 = arith.addi %arg1, %mul3A_174 : i32
      %mul3A_176 = arith.constant 400 : i32
      %mul3A_177 = arith.muli %add3A_175, %mul3A_176 : i32
      %dma_start3A = arith.constant 0 : i32
      %dma_start3A_178 = tpu.memref_slice %arg15[%dma_start3A] : memref<3x!tpu.dma_semaphore, #tpu.memory_space<semaphore_mem>> -> memref<1x!tpu.dma_semaphore, #tpu.memory_space<semaphore_mem>>
      %dma_start3A_179 = tpu.memref_squeeze %dma_start3A_178 : memref<1x!tpu.dma_semaphore, #tpu.memory_space<semaphore_mem>> -> memref<!tpu.dma_semaphore, #tpu.memory_space<semaphore_mem>>
      %dma_start3A_180 = arith.constant 0 : i32
      %dma_start3A_181 = tpu.memref_slice %arg10[%mul3A_177, %dma_start3A_180] : memref<50000x32xf32, #tpu.memory_space<vmem_shared>> -> memref<400x32xf32, #tpu.memory_space<vmem_shared>>
      tpu.enqueue_dma source(%arg6 : memref<400x32xf32, #tpu.memory_space<hbm>>) target(%dma_start3A_181 : memref<400x32xf32, #tpu.memory_space<vmem_shared>>) target_semaphore(%dma_start3A_179 : memref<!tpu.dma_semaphore, #tpu.memory_space<semaphore_mem>>)
      %while3A_182 = arith.constant 0 : i32
      scf.yield %while3A_182 : i32
    }
    %while3A_79 = arith.constant 1 : i32
    %while3A_80 = scf.for %while3A_171 = %while3A_76 to %while3A_72 step %while3A_79 iter_args(%while3A_172 = %while3A_78) -> (i32)  : i32 {
      %mul3A_173 = arith.constant 16 : i32
      %mul3A_174 = arith.muli %while3A_171, %mul3A_173 : i32
      %add3A_175 = arith.addi %arg1, %mul3A_174 : i32
      %mul3A_176 = arith.constant 400 : i32
      %mul3A_177 = arith.muli %add3A_175, %mul3A_176 : i32
      %dma_start3A = arith.constant 0 : i32
      %dma_start3A_178 = tpu.memref_slice %arg15[%dma_start3A] : memref<3x!tpu.dma_semaphore, #tpu.memory_space<semaphore_mem>> -> memref<1x!tpu.dma_semaphore, #tpu.memory_space<semaphore_mem>>
      %dma_start3A_179 = tpu.memref_squeeze %dma_start3A_178 : memref<1x!tpu.dma_semaphore, #tpu.memory_space<semaphore_mem>> -> memref<!tpu.dma_semaphore, #tpu.memory_space<semaphore_mem>>
      %dma_start3A_180 = arith.constant 0 : i32
      %dma_start3A_181 = tpu.memref_slice %arg10[%mul3A_177, %dma_start3A_180] : memref<50000x32xf32, #tpu.memory_space<vmem_shared>> -> memref<400x32xf32, #tpu.memory_space<vmem_shared>>
      tpu.enqueue_dma source(%arg6 : memref<400x32xf32, #tpu.memory_space<hbm>>) target(%dma_start3A_181 : memref<400x32xf32, #tpu.memory_space<vmem_shared>>) target_semaphore(%dma_start3A_179 : memref<!tpu.dma_semaphore, #tpu.memory_space<semaphore_mem>>)
      %while3A_182 = arith.constant 0 : i32
      scf.yield %while3A_182 : i32
    }
    %while3A_81 = arith.constant 0 : i32
    %while3A_82 = arith.constant 0 : i32
    %while3A_83 = arith.subi %add3A_19, %while3A_81 : i32
    %while3A_84 = arith.addi %while3A_81, %while3A_83 : i32
    %while3A_85 = arith.constant 1 : i32
    %while3A_86 = arith.divsi %while3A_83, %while3A_85 : i32
    %while3A_87 = arith.muli %while3A_86, %while3A_85 : i32
    %while3A_88 = arith.addi %while3A_81, %while3A_87 : i32
    %while3A_89 = arith.constant 1 : i32
    %while3A_90 = scf.for %while3A_171 = %while3A_81 to %while3A_88 step %while3A_89 iter_args(%while3A_172 = %while3A_82) -> (i32)  : i32 {
      %mul3A_173 = arith.constant 16 : i32
      %mul3A_174 = arith.muli %while3A_171, %mul3A_173 : i32
      %add3A_175 = arith.addi %arg1, %mul3A_174 : i32
      %mul3A_176 = arith.constant 400 : i32
      %mul3A_177 = arith.muli %add3A_175, %mul3A_176 : i32
      %dma_wait3A = arith.constant 0 : i32
      %dma_wait3A_178 = tpu.memref_slice %arg15[%dma_wait3A] : memref<3x!tpu.dma_semaphore, #tpu.memory_space<semaphore_mem>> -> memref<1x!tpu.dma_semaphore, #tpu.memory_space<semaphore_mem>>
      %dma_wait3A_179 = tpu.memref_squeeze %dma_wait3A_178 : memref<1x!tpu.dma_semaphore, #tpu.memory_space<semaphore_mem>> -> memref<!tpu.dma_semaphore, #tpu.memory_space<semaphore_mem>>
      %dma_wait3A_180 = arith.constant 0 : i32
      %dma_wait3A_181 = tpu.memref_slice %arg10[%mul3A_177, %dma_wait3A_180] : memref<50000x32xf32, #tpu.memory_space<vmem_shared>> -> memref<400x32xf32, #tpu.memory_space<vmem_shared>>
      tpu.wait_dma2 semaphore(%dma_wait3A_179 : memref<!tpu.dma_semaphore, #tpu.memory_space<semaphore_mem>>) src(%arg6 : memref<400x32xf32, #tpu.memory_space<hbm>>) dst(%dma_wait3A_181 : memref<400x32xf32, #tpu.memory_space<vmem_shared>>)
      %while3A_182 = arith.constant 0 : i32
      scf.yield %while3A_182 : i32
    }
    %while3A_91 = arith.constant 1 : i32
    %while3A_92 = scf.for %while3A_171 = %while3A_88 to %while3A_84 step %while3A_91 iter_args(%while3A_172 = %while3A_90) -> (i32)  : i32 {
      %mul3A_173 = arith.constant 16 : i32
      %mul3A_174 = arith.muli %while3A_171, %mul3A_173 : i32
      %add3A_175 = arith.addi %arg1, %mul3A_174 : i32
      %mul3A_176 = arith.constant 400 : i32
      %mul3A_177 = arith.muli %add3A_175, %mul3A_176 : i32
      %dma_wait3A = arith.constant 0 : i32
      %dma_wait3A_178 = tpu.memref_slice %arg15[%dma_wait3A] : memref<3x!tpu.dma_semaphore, #tpu.memory_space<semaphore_mem>> -> memref<1x!tpu.dma_semaphore, #tpu.memory_space<semaphore_mem>>
      %dma_wait3A_179 = tpu.memref_squeeze %dma_wait3A_178 : memref<1x!tpu.dma_semaphore, #tpu.memory_space<semaphore_mem>> -> memref<!tpu.dma_semaphore, #tpu.memory_space<semaphore_mem>>
      %dma_wait3A_180 = arith.constant 0 : i32
      %dma_wait3A_181 = tpu.memref_slice %arg10[%mul3A_177, %dma_wait3A_180] : memref<50000x32xf32, #tpu.memory_space<vmem_shared>> -> memref<400x32xf32, #tpu.memory_space<vmem_shared>>
      tpu.wait_dma2 semaphore(%dma_wait3A_179 : memref<!tpu.dma_semaphore, #tpu.memory_space<semaphore_mem>>) src(%arg6 : memref<400x32xf32, #tpu.memory_space<hbm>>) dst(%dma_wait3A_181 : memref<400x32xf32, #tpu.memory_space<vmem_shared>>)
      %while3A_182 = arith.constant 0 : i32
      scf.yield %while3A_182 : i32
    }
    %barrier3A_93 = arith.constant 0 : index
    tpu.barrier barrier_id(%barrier3A_93)
    %barrier3A_94 = arith.constant 0 : index
    tpu.barrier barrier_id(%barrier3A_94)
    %while3A_95 = arith.constant 0 : i32
    %while3A_96 = arith.constant 0 : i32
    %while3A_97 = arith.subi %add3A_19, %while3A_95 : i32
    %while3A_98 = arith.addi %while3A_95, %while3A_97 : i32
    %while3A_99 = arith.constant 1 : i32
    %while3A_100 = arith.divsi %while3A_97, %while3A_99 : i32
    %while3A_101 = arith.muli %while3A_100, %while3A_99 : i32
    %while3A_102 = arith.addi %while3A_95, %while3A_101 : i32
    %while3A_103 = arith.constant 1 : i32
    %while3A_104 = scf.for %while3A_171 = %while3A_95 to %while3A_102 step %while3A_103 iter_args(%while3A_172 = %while3A_96) -> (i32)  : i32 {
      %mul3A_173 = arith.constant 16 : i32
      %mul3A_174 = arith.muli %while3A_171, %mul3A_173 : i32
      %add3A_175 = arith.addi %arg1, %mul3A_174 : i32
      %mul3A_176 = arith.constant 400 : i32
      %mul3A_177 = arith.muli %add3A_175, %mul3A_176 : i32
      %add3A_178 = arith.addi %mul3A_0, %mul3A_177 : i32
      %dma_start3A = arith.constant 1 : i32
      %dma_start3A_179 = tpu.memref_slice %arg15[%dma_start3A] : memref<3x!tpu.dma_semaphore, #tpu.memory_space<semaphore_mem>> -> memref<1x!tpu.dma_semaphore, #tpu.memory_space<semaphore_mem>>
      %dma_start3A_180 = tpu.memref_squeeze %dma_start3A_179 : memref<1x!tpu.dma_semaphore, #tpu.memory_space<semaphore_mem>> -> memref<!tpu.dma_semaphore, #tpu.memory_space<semaphore_mem>>
      %dma_start3A_181 = arith.constant 0 : i32
      %dma_start3A_182 = tpu.memref_slice %arg9[%add3A_178, %dma_start3A_181] : memref<100000x32xf32, #tpu.memory_space<hbm>> -> memref<400x32xf32, #tpu.memory_space<hbm>>
      %dma_start3A_183 = arith.constant 0 : i32
      %dma_start3A_184 = tpu.memref_slice %arg10[%mul3A_177, %dma_start3A_183] : memref<50000x32xf32, #tpu.memory_space<vmem_shared>> -> memref<400x32xf32, #tpu.memory_space<vmem_shared>>
      tpu.enqueue_dma source(%dma_start3A_184 : memref<400x32xf32, #tpu.memory_space<vmem_shared>>) target(%dma_start3A_182 : memref<400x32xf32, #tpu.memory_space<hbm>>) target_semaphore(%dma_start3A_180 : memref<!tpu.dma_semaphore, #tpu.memory_space<semaphore_mem>>)
      %while3A_185 = arith.constant 0 : i32
      scf.yield %while3A_185 : i32
    }
    %while3A_105 = arith.constant 1 : i32
    %while3A_106 = scf.for %while3A_171 = %while3A_102 to %while3A_98 step %while3A_105 iter_args(%while3A_172 = %while3A_104) -> (i32)  : i32 {
      %mul3A_173 = arith.constant 16 : i32
      %mul3A_174 = arith.muli %while3A_171, %mul3A_173 : i32
      %add3A_175 = arith.addi %arg1, %mul3A_174 : i32
      %mul3A_176 = arith.constant 400 : i32
      %mul3A_177 = arith.muli %add3A_175, %mul3A_176 : i32
      %add3A_178 = arith.addi %mul3A_0, %mul3A_177 : i32
      %dma_start3A = arith.constant 1 : i32
      %dma_start3A_179 = tpu.memref_slice %arg15[%dma_start3A] : memref<3x!tpu.dma_semaphore, #tpu.memory_space<semaphore_mem>> -> memref<1x!tpu.dma_semaphore, #tpu.memory_space<semaphore_mem>>
      %dma_start3A_180 = tpu.memref_squeeze %dma_start3A_179 : memref<1x!tpu.dma_semaphore, #tpu.memory_space<semaphore_mem>> -> memref<!tpu.dma_semaphore, #tpu.memory_space<semaphore_mem>>
      %dma_start3A_181 = arith.constant 0 : i32
      %dma_start3A_182 = tpu.memref_slice %arg9[%add3A_178, %dma_start3A_181] : memref<100000x32xf32, #tpu.memory_space<hbm>> -> memref<400x32xf32, #tpu.memory_space<hbm>>
      %dma_start3A_183 = arith.constant 0 : i32
      %dma_start3A_184 = tpu.memref_slice %arg10[%mul3A_177, %dma_start3A_183] : memref<50000x32xf32, #tpu.memory_space<vmem_shared>> -> memref<400x32xf32, #tpu.memory_space<vmem_shared>>
      tpu.enqueue_dma source(%dma_start3A_184 : memref<400x32xf32, #tpu.memory_space<vmem_shared>>) target(%dma_start3A_182 : memref<400x32xf32, #tpu.memory_space<hbm>>) target_semaphore(%dma_start3A_180 : memref<!tpu.dma_semaphore, #tpu.memory_space<semaphore_mem>>)
      %while3A_185 = arith.constant 0 : i32
      scf.yield %while3A_185 : i32
    }
    %while3A_107 = arith.constant 0 : i32
    %while3A_108 = arith.constant 0 : i32
    %while3A_109 = arith.subi %add3A_19, %while3A_107 : i32
    %while3A_110 = arith.addi %while3A_107, %while3A_109 : i32
    %while3A_111 = arith.constant 1 : i32
    %while3A_112 = arith.divsi %while3A_109, %while3A_111 : i32
    %while3A_113 = arith.muli %while3A_112, %while3A_111 : i32
    %while3A_114 = arith.addi %while3A_107, %while3A_113 : i32
    %while3A_115 = arith.constant 1 : i32
    %while3A_116 = scf.for %while3A_171 = %while3A_107 to %while3A_114 step %while3A_115 iter_args(%while3A_172 = %while3A_108) -> (i32)  : i32 {
      %mul3A_173 = arith.constant 16 : i32
      %mul3A_174 = arith.muli %while3A_171, %mul3A_173 : i32
      %add3A_175 = arith.addi %arg1, %mul3A_174 : i32
      %mul3A_176 = arith.constant 400 : i32
      %mul3A_177 = arith.muli %add3A_175, %mul3A_176 : i32
      %add3A_178 = arith.addi %mul3A_0, %mul3A_177 : i32
      %dma_wait3A = arith.constant 1 : i32
      %dma_wait3A_179 = tpu.memref_slice %arg15[%dma_wait3A] : memref<3x!tpu.dma_semaphore, #tpu.memory_space<semaphore_mem>> -> memref<1x!tpu.dma_semaphore, #tpu.memory_space<semaphore_mem>>
      %dma_wait3A_180 = tpu.memref_squeeze %dma_wait3A_179 : memref<1x!tpu.dma_semaphore, #tpu.memory_space<semaphore_mem>> -> memref<!tpu.dma_semaphore, #tpu.memory_space<semaphore_mem>>
      %dma_wait3A_181 = arith.constant 0 : i32
      %dma_wait3A_182 = tpu.memref_slice %arg9[%add3A_178, %dma_wait3A_181] : memref<100000x32xf32, #tpu.memory_space<hbm>> -> memref<400x32xf32, #tpu.memory_space<hbm>>
      %dma_wait3A_183 = arith.constant 0 : i32
      %dma_wait3A_184 = tpu.memref_slice %arg10[%mul3A_177, %dma_wait3A_183] : memref<50000x32xf32, #tpu.memory_space<vmem_shared>> -> memref<400x32xf32, #tpu.memory_space<vmem_shared>>
      tpu.wait_dma2 semaphore(%dma_wait3A_180 : memref<!tpu.dma_semaphore, #tpu.memory_space<semaphore_mem>>) src(%dma_wait3A_184 : memref<400x32xf32, #tpu.memory_space<vmem_shared>>) dst(%dma_wait3A_182 : memref<400x32xf32, #tpu.memory_space<hbm>>)
      %while3A_185 = arith.constant 0 : i32
      scf.yield %while3A_185 : i32
    }
    %while3A_117 = arith.constant 1 : i32
    %while3A_118 = scf.for %while3A_171 = %while3A_114 to %while3A_110 step %while3A_117 iter_args(%while3A_172 = %while3A_116) -> (i32)  : i32 {
      %mul3A_173 = arith.constant 16 : i32
      %mul3A_174 = arith.muli %while3A_171, %mul3A_173 : i32
      %add3A_175 = arith.addi %arg1, %mul3A_174 : i32
      %mul3A_176 = arith.constant 400 : i32
      %mul3A_177 = arith.muli %add3A_175, %mul3A_176 : i32
      %add3A_178 = arith.addi %mul3A_0, %mul3A_177 : i32
      %dma_wait3A = arith.constant 1 : i32
      %dma_wait3A_179 = tpu.memref_slice %arg15[%dma_wait3A] : memref<3x!tpu.dma_semaphore, #tpu.memory_space<semaphore_mem>> -> memref<1x!tpu.dma_semaphore, #tpu.memory_space<semaphore_mem>>
      %dma_wait3A_180 = tpu.memref_squeeze %dma_wait3A_179 : memref<1x!tpu.dma_semaphore, #tpu.memory_space<semaphore_mem>> -> memref<!tpu.dma_semaphore, #tpu.memory_space<semaphore_mem>>
      %dma_wait3A_181 = arith.constant 0 : i32
      %dma_wait3A_182 = tpu.memref_slice %arg9[%add3A_178, %dma_wait3A_181] : memref<100000x32xf32, #tpu.memory_space<hbm>> -> memref<400x32xf32, #tpu.memory_space<hbm>>
      %dma_wait3A_183 = arith.constant 0 : i32
      %dma_wait3A_184 = tpu.memref_slice %arg10[%mul3A_177, %dma_wait3A_183] : memref<50000x32xf32, #tpu.memory_space<vmem_shared>> -> memref<400x32xf32, #tpu.memory_space<vmem_shared>>
      tpu.wait_dma2 semaphore(%dma_wait3A_180 : memref<!tpu.dma_semaphore, #tpu.memory_space<semaphore_mem>>) src(%dma_wait3A_184 : memref<400x32xf32, #tpu.memory_space<vmem_shared>>) dst(%dma_wait3A_182 : memref<400x32xf32, #tpu.memory_space<hbm>>)
      %while3A_185 = arith.constant 0 : i32
      scf.yield %while3A_185 : i32
    }
    %barrier3A_119 = arith.constant 0 : index
    tpu.barrier barrier_id(%barrier3A_119)
    %while3A_120 = arith.constant 0 : i32
    %while3A_121 = arith.constant 0 : i32
    %while3A_122 = arith.subi %add3A_19, %while3A_120 : i32
    %while3A_123 = arith.addi %while3A_120, %while3A_122 : i32
    %while3A_124 = arith.constant 1 : i32
    %while3A_125 = arith.divsi %while3A_122, %while3A_124 : i32
    %while3A_126 = arith.muli %while3A_125, %while3A_124 : i32
    %while3A_127 = arith.addi %while3A_120, %while3A_126 : i32
    %while3A_128 = arith.constant 1 : i32
    %while3A_129 = scf.for %while3A_171 = %while3A_120 to %while3A_127 step %while3A_128 iter_args(%while3A_172 = %while3A_121) -> (i32)  : i32 {
      %mul3A_173 = arith.constant 16 : i32
      %mul3A_174 = arith.muli %while3A_171, %mul3A_173 : i32
      %add3A_175 = arith.addi %arg1, %mul3A_174 : i32
      %mul3A_176 = arith.constant 400 : i32
      %mul3A_177 = arith.muli %add3A_175, %mul3A_176 : i32
      %dma_start3A = arith.constant 0 : i32
      %dma_start3A_178 = tpu.memref_slice %arg15[%dma_start3A] : memref<3x!tpu.dma_semaphore, #tpu.memory_space<semaphore_mem>> -> memref<1x!tpu.dma_semaphore, #tpu.memory_space<semaphore_mem>>
      %dma_start3A_179 = tpu.memref_squeeze %dma_start3A_178 : memref<1x!tpu.dma_semaphore, #tpu.memory_space<semaphore_mem>> -> memref<!tpu.dma_semaphore, #tpu.memory_space<semaphore_mem>>
      %dma_start3A_180 = arith.constant 0 : i32
      %dma_start3A_181 = tpu.memref_slice %arg10[%mul3A_177, %dma_start3A_180] : memref<50000x32xf32, #tpu.memory_space<vmem_shared>> -> memref<400x32xf32, #tpu.memory_space<vmem_shared>>
      tpu.enqueue_dma source(%arg6 : memref<400x32xf32, #tpu.memory_space<hbm>>) target(%dma_start3A_181 : memref<400x32xf32, #tpu.memory_space<vmem_shared>>) target_semaphore(%dma_start3A_179 : memref<!tpu.dma_semaphore, #tpu.memory_space<semaphore_mem>>)
      %while3A_182 = arith.constant 0 : i32
      scf.yield %while3A_182 : i32
    }
    %while3A_130 = arith.constant 1 : i32
    %while3A_131 = scf.for %while3A_171 = %while3A_127 to %while3A_123 step %while3A_130 iter_args(%while3A_172 = %while3A_129) -> (i32)  : i32 {
      %mul3A_173 = arith.constant 16 : i32
      %mul3A_174 = arith.muli %while3A_171, %mul3A_173 : i32
      %add3A_175 = arith.addi %arg1, %mul3A_174 : i32
      %mul3A_176 = arith.constant 400 : i32
      %mul3A_177 = arith.muli %add3A_175, %mul3A_176 : i32
      %dma_start3A = arith.constant 0 : i32
      %dma_start3A_178 = tpu.memref_slice %arg15[%dma_start3A] : memref<3x!tpu.dma_semaphore, #tpu.memory_space<semaphore_mem>> -> memref<1x!tpu.dma_semaphore, #tpu.memory_space<semaphore_mem>>
      %dma_start3A_179 = tpu.memref_squeeze %dma_start3A_178 : memref<1x!tpu.dma_semaphore, #tpu.memory_space<semaphore_mem>> -> memref<!tpu.dma_semaphore, #tpu.memory_space<semaphore_mem>>
      %dma_start3A_180 = arith.constant 0 : i32
      %dma_start3A_181 = tpu.memref_slice %arg10[%mul3A_177, %dma_start3A_180] : memref<50000x32xf32, #tpu.memory_space<vmem_shared>> -> memref<400x32xf32, #tpu.memory_space<vmem_shared>>
      tpu.enqueue_dma source(%arg6 : memref<400x32xf32, #tpu.memory_space<hbm>>) target(%dma_start3A_181 : memref<400x32xf32, #tpu.memory_space<vmem_shared>>) target_semaphore(%dma_start3A_179 : memref<!tpu.dma_semaphore, #tpu.memory_space<semaphore_mem>>)
      %while3A_182 = arith.constant 0 : i32
      scf.yield %while3A_182 : i32
    }
    %while3A_132 = arith.constant 0 : i32
    %while3A_133 = arith.constant 0 : i32
    %while3A_134 = arith.subi %add3A_19, %while3A_132 : i32
    %while3A_135 = arith.addi %while3A_132, %while3A_134 : i32
    %while3A_136 = arith.constant 1 : i32
    %while3A_137 = arith.divsi %while3A_134, %while3A_136 : i32
    %while3A_138 = arith.muli %while3A_137, %while3A_136 : i32
    %while3A_139 = arith.addi %while3A_132, %while3A_138 : i32
    %while3A_140 = arith.constant 1 : i32
    %while3A_141 = scf.for %while3A_171 = %while3A_132 to %while3A_139 step %while3A_140 iter_args(%while3A_172 = %while3A_133) -> (i32)  : i32 {
      %mul3A_173 = arith.constant 16 : i32
      %mul3A_174 = arith.muli %while3A_171, %mul3A_173 : i32
      %add3A_175 = arith.addi %arg1, %mul3A_174 : i32
      %mul3A_176 = arith.constant 400 : i32
      %mul3A_177 = arith.muli %add3A_175, %mul3A_176 : i32
      %dma_wait3A = arith.constant 0 : i32
      %dma_wait3A_178 = tpu.memref_slice %arg15[%dma_wait3A] : memref<3x!tpu.dma_semaphore, #tpu.memory_space<semaphore_mem>> -> memref<1x!tpu.dma_semaphore, #tpu.memory_space<semaphore_mem>>
      %dma_wait3A_179 = tpu.memref_squeeze %dma_wait3A_178 : memref<1x!tpu.dma_semaphore, #tpu.memory_space<semaphore_mem>> -> memref<!tpu.dma_semaphore, #tpu.memory_space<semaphore_mem>>
      %dma_wait3A_180 = arith.constant 0 : i32
      %dma_wait3A_181 = tpu.memref_slice %arg10[%mul3A_177, %dma_wait3A_180] : memref<50000x32xf32, #tpu.memory_space<vmem_shared>> -> memref<400x32xf32, #tpu.memory_space<vmem_shared>>
      tpu.wait_dma2 semaphore(%dma_wait3A_179 : memref<!tpu.dma_semaphore, #tpu.memory_space<semaphore_mem>>) src(%arg6 : memref<400x32xf32, #tpu.memory_space<hbm>>) dst(%dma_wait3A_181 : memref<400x32xf32, #tpu.memory_space<vmem_shared>>)
      %while3A_182 = arith.constant 0 : i32
      scf.yield %while3A_182 : i32
    }
    %while3A_142 = arith.constant 1 : i32
    %while3A_143 = scf.for %while3A_171 = %while3A_139 to %while3A_135 step %while3A_142 iter_args(%while3A_172 = %while3A_141) -> (i32)  : i32 {
      %mul3A_173 = arith.constant 16 : i32
      %mul3A_174 = arith.muli %while3A_171, %mul3A_173 : i32
      %add3A_175 = arith.addi %arg1, %mul3A_174 : i32
      %mul3A_176 = arith.constant 400 : i32
      %mul3A_177 = arith.muli %add3A_175, %mul3A_176 : i32
      %dma_wait3A = arith.constant 0 : i32
      %dma_wait3A_178 = tpu.memref_slice %arg15[%dma_wait3A] : memref<3x!tpu.dma_semaphore, #tpu.memory_space<semaphore_mem>> -> memref<1x!tpu.dma_semaphore, #tpu.memory_space<semaphore_mem>>
      %dma_wait3A_179 = tpu.memref_squeeze %dma_wait3A_178 : memref<1x!tpu.dma_semaphore, #tpu.memory_space<semaphore_mem>> -> memref<!tpu.dma_semaphore, #tpu.memory_space<semaphore_mem>>
      %dma_wait3A_180 = arith.constant 0 : i32
      %dma_wait3A_181 = tpu.memref_slice %arg10[%mul3A_177, %dma_wait3A_180] : memref<50000x32xf32, #tpu.memory_space<vmem_shared>> -> memref<400x32xf32, #tpu.memory_space<vmem_shared>>
      tpu.wait_dma2 semaphore(%dma_wait3A_179 : memref<!tpu.dma_semaphore, #tpu.memory_space<semaphore_mem>>) src(%arg6 : memref<400x32xf32, #tpu.memory_space<hbm>>) dst(%dma_wait3A_181 : memref<400x32xf32, #tpu.memory_space<vmem_shared>>)
      %while3A_182 = arith.constant 0 : i32
      scf.yield %while3A_182 : i32
    }
    %barrier3A_144 = arith.constant 0 : index
    tpu.barrier barrier_id(%barrier3A_144)
    %barrier3A_145 = arith.constant 0 : index
    tpu.barrier barrier_id(%barrier3A_145)
    %ge3A = arith.constant 1 : i32
    %ge3A_146 = arith.cmpi sge, %add3A_12, %ge3A : i32
    %convert_element_type3A = arith.extui %ge3A_146 : i1 to i32
    %cond3A = arith.constant 0 : i32
    %cond3A_147 = arith.cmpi ne, %convert_element_type3A, %cond3A : i32
    scf.if %cond3A_147 {
      %add3A_171 = arith.constant 0 : i32
      %add3A_172 = arith.addi %arg1, %add3A_171 : i32
      %mul3A_173 = arith.constant 80 : i32
      %mul3A_174 = arith.muli %add3A_172, %mul3A_173 : i32
      %add3A_175 = arith.addi %mul3A_0, %mul3A_174 : i32
      %dma_start3A = arith.constant 0 : i32
      %dma_start3A_176 = arith.constant 0 : i32
      %dma_start3A_177 = arith.constant 0 : i32
      %dma_start3A_178 = arith.constant 0 : i32
      %dma_start3A_179 = tpu.memref_slice %arg14[%dma_start3A, %dma_start3A_177, %dma_start3A_178] : memref<6x128x32xf32, #tpu.memory_space<vmem>> -> memref<1x80x32xf32, #tpu.memory_space<vmem>>
      %dma_start3A_180 = tpu.memref_squeeze %dma_start3A_179 : memref<1x80x32xf32, #tpu.memory_space<vmem>> -> memref<80x32xf32, #tpu.memory_space<vmem>>
      %dma_start3A_181 = arith.constant 0 : i32
      %dma_start3A_182 = tpu.memref_slice %arg8[%add3A_175, %dma_start3A_181] : memref<100000x32xf32, #tpu.memory_space<hbm>> -> memref<80x32xf32, #tpu.memory_space<hbm>>
      %dma_start3A_183 = tpu.memref_slice %arg16[%dma_start3A_176] : memref<6x!tpu.dma_semaphore, #tpu.memory_space<semaphore_mem>> -> memref<1x!tpu.dma_semaphore, #tpu.memory_space<semaphore_mem>>
      %dma_start3A_184 = tpu.memref_squeeze %dma_start3A_183 : memref<1x!tpu.dma_semaphore, #tpu.memory_space<semaphore_mem>> -> memref<!tpu.dma_semaphore, #tpu.memory_space<semaphore_mem>>
      %dma_start3A_185 = arith.constant 0 : i32
      %dma_start3A_186 = arith.constant 0 : i32
      %dma_start3A_187 = tpu.memref_slice %arg14[%dma_start3A, %dma_start3A_185, %dma_start3A_186] : memref<6x128x32xf32, #tpu.memory_space<vmem>> -> memref<1x80x32xf32, #tpu.memory_space<vmem>>
      %dma_start3A_188 = tpu.memref_squeeze %dma_start3A_187 : memref<1x80x32xf32, #tpu.memory_space<vmem>> -> memref<80x32xf32, #tpu.memory_space<vmem>>
      %dma_start3A_189 = arith.constant 0 : i32
      %dma_start3A_190 = tpu.memref_slice %arg8[%add3A_175, %dma_start3A_189] : memref<100000x32xf32, #tpu.memory_space<hbm>> -> memref<80x32xf32, #tpu.memory_space<hbm>>
      tpu.enqueue_dma source(%dma_start3A_190 : memref<80x32xf32, #tpu.memory_space<hbm>>) target(%dma_start3A_188 : memref<80x32xf32, #tpu.memory_space<vmem>>) target_semaphore(%dma_start3A_184 : memref<!tpu.dma_semaphore, #tpu.memory_space<semaphore_mem>>)
      %add3A_191 = arith.addi %mul3A_0, %mul3A_174 : i32
      %dma_start3A_192 = arith.constant 1 : i32
      %dma_start3A_193 = arith.constant 1 : i32
      %dma_start3A_194 = arith.constant 0 : i32
      %dma_start3A_195 = arith.constant 0 : i32
      %dma_start3A_196 = tpu.memref_slice %arg14[%dma_start3A_192, %dma_start3A_194, %dma_start3A_195] : memref<6x128x32xf32, #tpu.memory_space<vmem>> -> memref<1x80x32xf32, #tpu.memory_space<vmem>>
      %dma_start3A_197 = tpu.memref_squeeze %dma_start3A_196 : memref<1x80x32xf32, #tpu.memory_space<vmem>> -> memref<80x32xf32, #tpu.memory_space<vmem>>
      %dma_start3A_198 = arith.constant 0 : i32
      %dma_start3A_199 = tpu.memref_slice %arg9[%add3A_191, %dma_start3A_198] : memref<100000x32xf32, #tpu.memory_space<hbm>> -> memref<80x32xf32, #tpu.memory_space<hbm>>
      %dma_start3A_200 = tpu.memref_slice %arg16[%dma_start3A_193] : memref<6x!tpu.dma_semaphore, #tpu.memory_space<semaphore_mem>> -> memref<1x!tpu.dma_semaphore, #tpu.memory_space<semaphore_mem>>
      %dma_start3A_201 = tpu.memref_squeeze %dma_start3A_200 : memref<1x!tpu.dma_semaphore, #tpu.memory_space<semaphore_mem>> -> memref<!tpu.dma_semaphore, #tpu.memory_space<semaphore_mem>>
      %dma_start3A_202 = arith.constant 0 : i32
      %dma_start3A_203 = arith.constant 0 : i32
      %dma_start3A_204 = tpu.memref_slice %arg14[%dma_start3A_192, %dma_start3A_202, %dma_start3A_203] : memref<6x128x32xf32, #tpu.memory_space<vmem>> -> memref<1x80x32xf32, #tpu.memory_space<vmem>>
      %dma_start3A_205 = tpu.memref_squeeze %dma_start3A_204 : memref<1x80x32xf32, #tpu.memory_space<vmem>> -> memref<80x32xf32, #tpu.memory_space<vmem>>
      %dma_start3A_206 = arith.constant 0 : i32
      %dma_start3A_207 = tpu.memref_slice %arg9[%add3A_191, %dma_start3A_206] : memref<100000x32xf32, #tpu.memory_space<hbm>> -> memref<80x32xf32, #tpu.memory_space<hbm>>
      tpu.enqueue_dma source(%dma_start3A_207 : memref<80x32xf32, #tpu.memory_space<hbm>>) target(%dma_start3A_205 : memref<80x32xf32, #tpu.memory_space<vmem>>) target_semaphore(%dma_start3A_201 : memref<!tpu.dma_semaphore, #tpu.memory_space<semaphore_mem>>)
      %dma_start3A_208 = arith.constant 2 : i32
      %dma_start3A_209 = arith.constant 2 : i32
      %dma_start3A_210 = arith.constant 0 : i32
      %dma_start3A_211 = arith.constant 0 : i32
      %dma_start3A_212 = tpu.memref_slice %arg14[%dma_start3A_208, %dma_start3A_210, %dma_start3A_211] : memref<6x128x32xf32, #tpu.memory_space<vmem>> -> memref<1x80x32xf32, #tpu.memory_space<vmem>>
      %dma_start3A_213 = tpu.memref_squeeze %dma_start3A_212 : memref<1x80x32xf32, #tpu.memory_space<vmem>> -> memref<80x32xf32, #tpu.memory_space<vmem>>
      %dma_start3A_214 = arith.constant 0 : i32
      %dma_start3A_215 = tpu.memref_slice %arg10[%mul3A_174, %dma_start3A_214] : memref<50000x32xf32, #tpu.memory_space<vmem_shared>> -> memref<80x32xf32, #tpu.memory_space<vmem_shared>>
      %dma_start3A_216 = tpu.memref_slice %arg16[%dma_start3A_209] : memref<6x!tpu.dma_semaphore, #tpu.memory_space<semaphore_mem>> -> memref<1x!tpu.dma_semaphore, #tpu.memory_space<semaphore_mem>>
      %dma_start3A_217 = tpu.memref_squeeze %dma_start3A_216 : memref<1x!tpu.dma_semaphore, #tpu.memory_space<semaphore_mem>> -> memref<!tpu.dma_semaphore, #tpu.memory_space<semaphore_mem>>
      %dma_start3A_218 = arith.constant 0 : i32
      %dma_start3A_219 = arith.constant 0 : i32
      %dma_start3A_220 = tpu.memref_slice %arg14[%dma_start3A_208, %dma_start3A_218, %dma_start3A_219] : memref<6x128x32xf32, #tpu.memory_space<vmem>> -> memref<1x80x32xf32, #tpu.memory_space<vmem>>
      %dma_start3A_221 = tpu.memref_squeeze %dma_start3A_220 : memref<1x80x32xf32, #tpu.memory_space<vmem>> -> memref<80x32xf32, #tpu.memory_space<vmem>>
      %dma_start3A_222 = arith.constant 0 : i32
      %dma_start3A_223 = tpu.memref_slice %arg10[%mul3A_174, %dma_start3A_222] : memref<50000x32xf32, #tpu.memory_space<vmem_shared>> -> memref<80x32xf32, #tpu.memory_space<vmem_shared>>
      tpu.enqueue_dma source(%dma_start3A_223 : memref<80x32xf32, #tpu.memory_space<vmem_shared>>) target(%dma_start3A_221 : memref<80x32xf32, #tpu.memory_space<vmem>>) target_semaphore(%dma_start3A_217 : memref<!tpu.dma_semaphore, #tpu.memory_space<semaphore_mem>>)
    } else {
    }
    %while3A_148 = arith.constant 0.333333343 : f32
    %while3A_149 = arith.constant 0 : i32
    %while3A_150 = arith.constant 0 : i32
    %while3A_151 = arith.subi %add3A_12, %while3A_149 : i32
    %while3A_152 = arith.addi %while3A_149, %while3A_151 : i32
    %while3A_153 = arith.constant 1 : i32
    %while3A_154 = arith.divsi %while3A_151, %while3A_153 : i32
    %while3A_155 = arith.muli %while3A_154, %while3A_153 : i32
    %while3A_156 = arith.addi %while3A_149, %while3A_155 : i32
    %while3A_157 = arith.constant 1 : i32
    %while3A_158 = scf.for %while3A_171 = %while3A_149 to %while3A_156 step %while3A_157 iter_args(%while3A_172 = %while3A_150) -> (i32)  : i32 {
      %jit3A_173 = arith.constant 2 : i32
      %eq3A = arith.constant 0 : i32
      %eq3A_174 = arith.cmpi eq, %jit3A_173, %eq3A : i32
      %jit3A_175 = arith.constant 1 : i32
      %select_n3A_176 = arith.select %eq3A_174, %jit3A_175, %jit3A_173 : i32
      %rem3A = arith.remsi %while3A_171, %select_n3A_176 : i32
      %ne3A = arith.constant 0 : i32
      %ne3A_177 = arith.cmpi ne, %rem3A, %ne3A : i32
      %lt3A_178 = arith.constant 0 : i32
      %lt3A_179 = arith.cmpi slt, %rem3A, %lt3A_178 : i32
      %lt3A_180 = arith.constant 0 : i32
      %lt3A_181 = arith.cmpi slt, %select_n3A_176, %lt3A_180 : i32
      %ne3A_182 = arith.xori %lt3A_179, %lt3A_181 : i1
      %and3A = arith.andi %ne3A_182, %ne3A_177 : i1
      %add3A_183 = arith.addi %rem3A, %select_n3A_176 : i32
      %select_n3A_184 = arith.select %and3A, %add3A_183, %rem3A : i32
      %mul3A_185 = arith.constant 3 : i32
      %mul3A_186 = arith.muli %mul3A_185, %select_n3A_184 : i32
      %sub3A = arith.constant 3 : i32
      %sub3A_187 = arith.subi %sub3A, %mul3A_186 : i32
      %add3A_188 = arith.constant 1 : i32
      %add3A_189 = arith.addi %while3A_171, %add3A_188 : i32
      %lt3A_190 = arith.cmpi slt, %add3A_189, %add3A_12 : i32
      %convert_element_type3A_191 = arith.extui %lt3A_190 : i1 to i32
      %cond3A_192 = arith.constant 0 : i32
      %cond3A_193 = arith.cmpi ne, %convert_element_type3A_191, %cond3A_192 : i32
      scf.if %cond3A_193 {
        %ge3A_276 = arith.constant 1 : i32
        %ge3A_277 = arith.cmpi sge, %while3A_171, %ge3A_276 : i32
        %convert_element_type3A_278 = arith.extui %ge3A_277 : i1 to i32
        %cond3A_279 = arith.constant 0 : i32
        %cond3A_280 = arith.cmpi ne, %convert_element_type3A_278, %cond3A_279 : i32
        scf.if %cond3A_280 {
          %sub3A_340 = arith.constant 1 : i32
          %sub3A_341 = arith.subi %while3A_171, %sub3A_340 : i32
          %mul3A_342 = arith.constant 16 : i32
          %mul3A_343 = arith.muli %sub3A_341, %mul3A_342 : i32
          %add3A_344 = arith.addi %arg1, %mul3A_343 : i32
          %mul3A_345 = arith.constant 80 : i32
          %mul3A_346 = arith.muli %add3A_344, %mul3A_345 : i32
          %add3A_347 = arith.addi %mul3A_0, %mul3A_346 : i32
          %dma_wait3A_348 = arith.constant 0 : i32
          %dma_wait3A_349 = arith.constant 0 : i32
          %dma_wait3A_350 = tpu.memref_slice %arg14[%sub3A_187, %dma_wait3A_348, %dma_wait3A_349] : memref<6x128x32xf32, #tpu.memory_space<vmem>> -> memref<1x80x32xf32, #tpu.memory_space<vmem>>
          %dma_wait3A_351 = tpu.memref_squeeze %dma_wait3A_350 : memref<1x80x32xf32, #tpu.memory_space<vmem>> -> memref<80x32xf32, #tpu.memory_space<vmem>>
          %dma_wait3A_352 = arith.constant 0 : i32
          %dma_wait3A_353 = tpu.memref_slice %arg7[%add3A_347, %dma_wait3A_352] : memref<100000x32xf32, #tpu.memory_space<hbm>> -> memref<80x32xf32, #tpu.memory_space<hbm>>
          %dma_wait3A_354 = tpu.memref_slice %arg17[%sub3A_187] : memref<6x!tpu.dma_semaphore, #tpu.memory_space<semaphore_mem>> -> memref<1x!tpu.dma_semaphore, #tpu.memory_space<semaphore_mem>>
          %dma_wait3A_355 = tpu.memref_squeeze %dma_wait3A_354 : memref<1x!tpu.dma_semaphore, #tpu.memory_space<semaphore_mem>> -> memref<!tpu.dma_semaphore, #tpu.memory_space<semaphore_mem>>
          %dma_wait3A_356 = arith.constant 0 : i32
          %dma_wait3A_357 = tpu.memref_slice %arg7[%add3A_347, %dma_wait3A_356] : memref<100000x32xf32, #tpu.memory_space<hbm>> -> memref<80x32xf32, #tpu.memory_space<hbm>>
          %dma_wait3A_358 = arith.constant 0 : i32
          %dma_wait3A_359 = arith.constant 0 : i32
          %dma_wait3A_360 = tpu.memref_slice %arg14[%sub3A_187, %dma_wait3A_358, %dma_wait3A_359] : memref<6x128x32xf32, #tpu.memory_space<vmem>> -> memref<1x80x32xf32, #tpu.memory_space<vmem>>
          %dma_wait3A_361 = tpu.memref_squeeze %dma_wait3A_360 : memref<1x80x32xf32, #tpu.memory_space<vmem>> -> memref<80x32xf32, #tpu.memory_space<vmem>>
          tpu.wait_dma2 semaphore(%dma_wait3A_355 : memref<!tpu.dma_semaphore, #tpu.memory_space<semaphore_mem>>) src(%dma_wait3A_361 : memref<80x32xf32, #tpu.memory_space<vmem>>) dst(%dma_wait3A_357 : memref<80x32xf32, #tpu.memory_space<hbm>>)
        } else {
        }
        %add3A_281 = arith.constant 1 : i32
        %add3A_282 = arith.addi %while3A_171, %add3A_281 : i32
        %mul3A_283 = arith.constant 16 : i32
        %mul3A_284 = arith.muli %add3A_282, %mul3A_283 : i32
        %add3A_285 = arith.addi %arg1, %mul3A_284 : i32
        %mul3A_286 = arith.constant 80 : i32
        %mul3A_287 = arith.muli %add3A_285, %mul3A_286 : i32
        %add3A_288 = arith.addi %mul3A_0, %mul3A_287 : i32
        %dma_start3A_289 = arith.constant 0 : i32
        %dma_start3A_290 = arith.constant 0 : i32
        %dma_start3A_291 = tpu.memref_slice %arg14[%sub3A_187, %dma_start3A_289, %dma_start3A_290] : memref<6x128x32xf32, #tpu.memory_space<vmem>> -> memref<1x80x32xf32, #tpu.memory_space<vmem>>
        %dma_start3A_292 = tpu.memref_squeeze %dma_start3A_291 : memref<1x80x32xf32, #tpu.memory_space<vmem>> -> memref<80x32xf32, #tpu.memory_space<vmem>>
        %dma_start3A_293 = arith.constant 0 : i32
        %dma_start3A_294 = tpu.memref_slice %arg8[%add3A_288, %dma_start3A_293] : memref<100000x32xf32, #tpu.memory_space<hbm>> -> memref<80x32xf32, #tpu.memory_space<hbm>>
        %dma_start3A_295 = tpu.memref_slice %arg16[%sub3A_187] : memref<6x!tpu.dma_semaphore, #tpu.memory_space<semaphore_mem>> -> memref<1x!tpu.dma_semaphore, #tpu.memory_space<semaphore_mem>>
        %dma_start3A_296 = tpu.memref_squeeze %dma_start3A_295 : memref<1x!tpu.dma_semaphore, #tpu.memory_space<semaphore_mem>> -> memref<!tpu.dma_semaphore, #tpu.memory_space<semaphore_mem>>
        %dma_start3A_297 = arith.constant 0 : i32
        %dma_start3A_298 = arith.constant 0 : i32
        %dma_start3A_299 = tpu.memref_slice %arg14[%sub3A_187, %dma_start3A_297, %dma_start3A_298] : memref<6x128x32xf32, #tpu.memory_space<vmem>> -> memref<1x80x32xf32, #tpu.memory_space<vmem>>
        %dma_start3A_300 = tpu.memref_squeeze %dma_start3A_299 : memref<1x80x32xf32, #tpu.memory_space<vmem>> -> memref<80x32xf32, #tpu.memory_space<vmem>>
        %dma_start3A_301 = arith.constant 0 : i32
        %dma_start3A_302 = tpu.memref_slice %arg8[%add3A_288, %dma_start3A_301] : memref<100000x32xf32, #tpu.memory_space<hbm>> -> memref<80x32xf32, #tpu.memory_space<hbm>>
        tpu.enqueue_dma source(%dma_start3A_302 : memref<80x32xf32, #tpu.memory_space<hbm>>) target(%dma_start3A_300 : memref<80x32xf32, #tpu.memory_space<vmem>>) target_semaphore(%dma_start3A_296 : memref<!tpu.dma_semaphore, #tpu.memory_space<semaphore_mem>>)
        %add3A_303 = arith.addi %mul3A_0, %mul3A_287 : i32
        %add3A_304 = arith.constant 1 : i32
        %add3A_305 = arith.addi %sub3A_187, %add3A_304 : i32
        %add3A_306 = arith.constant 1 : i32
        %add3A_307 = arith.addi %sub3A_187, %add3A_306 : i32
        %dma_start3A_308 = arith.constant 0 : i32
        %dma_start3A_309 = arith.constant 0 : i32
        %dma_start3A_310 = tpu.memref_slice %arg14[%add3A_305, %dma_start3A_308, %dma_start3A_309] : memref<6x128x32xf32, #tpu.memory_space<vmem>> -> memref<1x80x32xf32, #tpu.memory_space<vmem>>
        %dma_start3A_311 = tpu.memref_squeeze %dma_start3A_310 : memref<1x80x32xf32, #tpu.memory_space<vmem>> -> memref<80x32xf32, #tpu.memory_space<vmem>>
        %dma_start3A_312 = arith.constant 0 : i32
        %dma_start3A_313 = tpu.memref_slice %arg9[%add3A_303, %dma_start3A_312] : memref<100000x32xf32, #tpu.memory_space<hbm>> -> memref<80x32xf32, #tpu.memory_space<hbm>>
        %dma_start3A_314 = tpu.memref_slice %arg16[%add3A_307] : memref<6x!tpu.dma_semaphore, #tpu.memory_space<semaphore_mem>> -> memref<1x!tpu.dma_semaphore, #tpu.memory_space<semaphore_mem>>
        %dma_start3A_315 = tpu.memref_squeeze %dma_start3A_314 : memref<1x!tpu.dma_semaphore, #tpu.memory_space<semaphore_mem>> -> memref<!tpu.dma_semaphore, #tpu.memory_space<semaphore_mem>>
        %dma_start3A_316 = arith.constant 0 : i32
        %dma_start3A_317 = arith.constant 0 : i32
        %dma_start3A_318 = tpu.memref_slice %arg14[%add3A_305, %dma_start3A_316, %dma_start3A_317] : memref<6x128x32xf32, #tpu.memory_space<vmem>> -> memref<1x80x32xf32, #tpu.memory_space<vmem>>
        %dma_start3A_319 = tpu.memref_squeeze %dma_start3A_318 : memref<1x80x32xf32, #tpu.memory_space<vmem>> -> memref<80x32xf32, #tpu.memory_space<vmem>>
        %dma_start3A_320 = arith.constant 0 : i32
        %dma_start3A_321 = tpu.memref_slice %arg9[%add3A_303, %dma_start3A_320] : memref<100000x32xf32, #tpu.memory_space<hbm>> -> memref<80x32xf32, #tpu.memory_space<hbm>>
        tpu.enqueue_dma source(%dma_start3A_321 : memref<80x32xf32, #tpu.memory_space<hbm>>) target(%dma_start3A_319 : memref<80x32xf32, #tpu.memory_space<vmem>>) target_semaphore(%dma_start3A_315 : memref<!tpu.dma_semaphore, #tpu.memory_space<semaphore_mem>>)
        %add3A_322 = arith.constant 2 : i32
        %add3A_323 = arith.addi %sub3A_187, %add3A_322 : i32
        %add3A_324 = arith.constant 2 : i32
        %add3A_325 = arith.addi %sub3A_187, %add3A_324 : i32
        %dma_start3A_326 = arith.constant 0 : i32
        %dma_start3A_327 = arith.constant 0 : i32
        %dma_start3A_328 = tpu.memref_slice %arg14[%add3A_323, %dma_start3A_326, %dma_start3A_327] : memref<6x128x32xf32, #tpu.memory_space<vmem>> -> memref<1x80x32xf32, #tpu.memory_space<vmem>>
        %dma_start3A_329 = tpu.memref_squeeze %dma_start3A_328 : memref<1x80x32xf32, #tpu.memory_space<vmem>> -> memref<80x32xf32, #tpu.memory_space<vmem>>
        %dma_start3A_330 = arith.constant 0 : i32
        %dma_start3A_331 = tpu.memref_slice %arg10[%mul3A_287, %dma_start3A_330] : memref<50000x32xf32, #tpu.memory_space<vmem_shared>> -> memref<80x32xf32, #tpu.memory_space<vmem_shared>>
        %dma_start3A_332 = tpu.memref_slice %arg16[%add3A_325] : memref<6x!tpu.dma_semaphore, #tpu.memory_space<semaphore_mem>> -> memref<1x!tpu.dma_semaphore, #tpu.memory_space<semaphore_mem>>
        %dma_start3A_333 = tpu.memref_squeeze %dma_start3A_332 : memref<1x!tpu.dma_semaphore, #tpu.memory_space<semaphore_mem>> -> memref<!tpu.dma_semaphore, #tpu.memory_space<semaphore_mem>>
        %dma_start3A_334 = arith.constant 0 : i32
        %dma_start3A_335 = arith.constant 0 : i32
        %dma_start3A_336 = tpu.memref_slice %arg14[%add3A_323, %dma_start3A_334, %dma_start3A_335] : memref<6x128x32xf32, #tpu.memory_space<vmem>> -> memref<1x80x32xf32, #tpu.memory_space<vmem>>
        %dma_start3A_337 = tpu.memref_squeeze %dma_start3A_336 : memref<1x80x32xf32, #tpu.memory_space<vmem>> -> memref<80x32xf32, #tpu.memory_space<vmem>>
        %dma_start3A_338 = arith.constant 0 : i32
        %dma_start3A_339 = tpu.memref_slice %arg10[%mul3A_287, %dma_start3A_338] : memref<50000x32xf32, #tpu.memory_space<vmem_shared>> -> memref<80x32xf32, #tpu.memory_space<vmem_shared>>
        tpu.enqueue_dma source(%dma_start3A_339 : memref<80x32xf32, #tpu.memory_space<vmem_shared>>) target(%dma_start3A_337 : memref<80x32xf32, #tpu.memory_space<vmem>>) target_semaphore(%dma_start3A_333 : memref<!tpu.dma_semaphore, #tpu.memory_space<semaphore_mem>>)
      } else {
      }
      %mul3A_194 = arith.constant 16 : i32
      %mul3A_195 = arith.muli %while3A_171, %mul3A_194 : i32
      %add3A_196 = arith.addi %arg1, %mul3A_195 : i32
      %mul3A_197 = arith.constant 80 : i32
      %mul3A_198 = arith.muli %add3A_196, %mul3A_197 : i32
      %add3A_199 = arith.addi %mul3A_0, %mul3A_198 : i32
      %dma_wait3A = arith.constant 0 : i32
      %dma_wait3A_200 = arith.constant 0 : i32
      %dma_wait3A_201 = tpu.memref_slice %arg14[%mul3A_186, %dma_wait3A, %dma_wait3A_200] : memref<6x128x32xf32, #tpu.memory_space<vmem>> -> memref<1x80x32xf32, #tpu.memory_space<vmem>>
      %dma_wait3A_202 = tpu.memref_squeeze %dma_wait3A_201 : memref<1x80x32xf32, #tpu.memory_space<vmem>> -> memref<80x32xf32, #tpu.memory_space<vmem>>
      %dma_wait3A_203 = arith.constant 0 : i32
      %dma_wait3A_204 = tpu.memref_slice %arg8[%add3A_199, %dma_wait3A_203] : memref<100000x32xf32, #tpu.memory_space<hbm>> -> memref<80x32xf32, #tpu.memory_space<hbm>>
      %dma_wait3A_205 = tpu.memref_slice %arg16[%mul3A_186] : memref<6x!tpu.dma_semaphore, #tpu.memory_space<semaphore_mem>> -> memref<1x!tpu.dma_semaphore, #tpu.memory_space<semaphore_mem>>
      %dma_wait3A_206 = tpu.memref_squeeze %dma_wait3A_205 : memref<1x!tpu.dma_semaphore, #tpu.memory_space<semaphore_mem>> -> memref<!tpu.dma_semaphore, #tpu.memory_space<semaphore_mem>>
      %dma_wait3A_207 = arith.constant 0 : i32
      %dma_wait3A_208 = arith.constant 0 : i32
      %dma_wait3A_209 = tpu.memref_slice %arg14[%mul3A_186, %dma_wait3A_207, %dma_wait3A_208] : memref<6x128x32xf32, #tpu.memory_space<vmem>> -> memref<1x80x32xf32, #tpu.memory_space<vmem>>
      %dma_wait3A_210 = tpu.memref_squeeze %dma_wait3A_209 : memref<1x80x32xf32, #tpu.memory_space<vmem>> -> memref<80x32xf32, #tpu.memory_space<vmem>>
      %dma_wait3A_211 = arith.constant 0 : i32
      %dma_wait3A_212 = tpu.memref_slice %arg8[%add3A_199, %dma_wait3A_211] : memref<100000x32xf32, #tpu.memory_space<hbm>> -> memref<80x32xf32, #tpu.memory_space<hbm>>
      tpu.wait_dma2 semaphore(%dma_wait3A_206 : memref<!tpu.dma_semaphore, #tpu.memory_space<semaphore_mem>>) src(%dma_wait3A_212 : memref<80x32xf32, #tpu.memory_space<hbm>>) dst(%dma_wait3A_210 : memref<80x32xf32, #tpu.memory_space<vmem>>)
      %add3A_213 = arith.addi %mul3A_0, %mul3A_198 : i32
      %add3A_214 = arith.constant 1 : i32
      %add3A_215 = arith.addi %mul3A_186, %add3A_214 : i32
      %add3A_216 = arith.constant 1 : i32
      %add3A_217 = arith.addi %mul3A_186, %add3A_216 : i32
      %dma_wait3A_218 = arith.constant 0 : i32
      %dma_wait3A_219 = arith.constant 0 : i32
      %dma_wait3A_220 = tpu.memref_slice %arg14[%add3A_215, %dma_wait3A_218, %dma_wait3A_219] : memref<6x128x32xf32, #tpu.memory_space<vmem>> -> memref<1x80x32xf32, #tpu.memory_space<vmem>>
      %dma_wait3A_221 = tpu.memref_squeeze %dma_wait3A_220 : memref<1x80x32xf32, #tpu.memory_space<vmem>> -> memref<80x32xf32, #tpu.memory_space<vmem>>
      %dma_wait3A_222 = arith.constant 0 : i32
      %dma_wait3A_223 = tpu.memref_slice %arg9[%add3A_213, %dma_wait3A_222] : memref<100000x32xf32, #tpu.memory_space<hbm>> -> memref<80x32xf32, #tpu.memory_space<hbm>>
      %dma_wait3A_224 = tpu.memref_slice %arg16[%add3A_217] : memref<6x!tpu.dma_semaphore, #tpu.memory_space<semaphore_mem>> -> memref<1x!tpu.dma_semaphore, #tpu.memory_space<semaphore_mem>>
      %dma_wait3A_225 = tpu.memref_squeeze %dma_wait3A_224 : memref<1x!tpu.dma_semaphore, #tpu.memory_space<semaphore_mem>> -> memref<!tpu.dma_semaphore, #tpu.memory_space<semaphore_mem>>
      %dma_wait3A_226 = arith.constant 0 : i32
      %dma_wait3A_227 = arith.constant 0 : i32
      %dma_wait3A_228 = tpu.memref_slice %arg14[%add3A_215, %dma_wait3A_226, %dma_wait3A_227] : memref<6x128x32xf32, #tpu.memory_space<vmem>> -> memref<1x80x32xf32, #tpu.memory_space<vmem>>
      %dma_wait3A_229 = tpu.memref_squeeze %dma_wait3A_228 : memref<1x80x32xf32, #tpu.memory_space<vmem>> -> memref<80x32xf32, #tpu.memory_space<vmem>>
      %dma_wait3A_230 = arith.constant 0 : i32
      %dma_wait3A_231 = tpu.memref_slice %arg9[%add3A_213, %dma_wait3A_230] : memref<100000x32xf32, #tpu.memory_space<hbm>> -> memref<80x32xf32, #tpu.memory_space<hbm>>
      tpu.wait_dma2 semaphore(%dma_wait3A_225 : memref<!tpu.dma_semaphore, #tpu.memory_space<semaphore_mem>>) src(%dma_wait3A_231 : memref<80x32xf32, #tpu.memory_space<hbm>>) dst(%dma_wait3A_229 : memref<80x32xf32, #tpu.memory_space<vmem>>)
      %add3A_232 = arith.constant 2 : i32
      %add3A_233 = arith.addi %mul3A_186, %add3A_232 : i32
      %add3A_234 = arith.constant 2 : i32
      %add3A_235 = arith.addi %mul3A_186, %add3A_234 : i32
      %dma_wait3A_236 = arith.constant 0 : i32
      %dma_wait3A_237 = arith.constant 0 : i32
      %dma_wait3A_238 = tpu.memref_slice %arg14[%add3A_233, %dma_wait3A_236, %dma_wait3A_237] : memref<6x128x32xf32, #tpu.memory_space<vmem>> -> memref<1x80x32xf32, #tpu.memory_space<vmem>>
      %dma_wait3A_239 = tpu.memref_squeeze %dma_wait3A_238 : memref<1x80x32xf32, #tpu.memory_space<vmem>> -> memref<80x32xf32, #tpu.memory_space<vmem>>
      %dma_wait3A_240 = arith.constant 0 : i32
      %dma_wait3A_241 = tpu.memref_slice %arg10[%mul3A_198, %dma_wait3A_240] : memref<50000x32xf32, #tpu.memory_space<vmem_shared>> -> memref<80x32xf32, #tpu.memory_space<vmem_shared>>
      %dma_wait3A_242 = tpu.memref_slice %arg16[%add3A_235] : memref<6x!tpu.dma_semaphore, #tpu.memory_space<semaphore_mem>> -> memref<1x!tpu.dma_semaphore, #tpu.memory_space<semaphore_mem>>
      %dma_wait3A_243 = tpu.memref_squeeze %dma_wait3A_242 : memref<1x!tpu.dma_semaphore, #tpu.memory_space<semaphore_mem>> -> memref<!tpu.dma_semaphore, #tpu.memory_space<semaphore_mem>>
      %dma_wait3A_244 = arith.constant 0 : i32
      %dma_wait3A_245 = arith.constant 0 : i32
      %dma_wait3A_246 = tpu.memref_slice %arg14[%add3A_233, %dma_wait3A_244, %dma_wait3A_245] : memref<6x128x32xf32, #tpu.memory_space<vmem>> -> memref<1x80x32xf32, #tpu.memory_space<vmem>>
      %dma_wait3A_247 = tpu.memref_squeeze %dma_wait3A_246 : memref<1x80x32xf32, #tpu.memory_space<vmem>> -> memref<80x32xf32, #tpu.memory_space<vmem>>
      %dma_wait3A_248 = arith.constant 0 : i32
      %dma_wait3A_249 = tpu.memref_slice %arg10[%mul3A_198, %dma_wait3A_248] : memref<50000x32xf32, #tpu.memory_space<vmem_shared>> -> memref<80x32xf32, #tpu.memory_space<vmem_shared>>
      tpu.wait_dma2 semaphore(%dma_wait3A_243 : memref<!tpu.dma_semaphore, #tpu.memory_space<semaphore_mem>>) src(%dma_wait3A_249 : memref<80x32xf32, #tpu.memory_space<vmem_shared>>) dst(%dma_wait3A_247 : memref<80x32xf32, #tpu.memory_space<vmem>>)
      %scan3A = arith.constant 0 : i32
      %scan3A_250 = arith.constant 0 : i32
      %scan3A_251 = arith.constant 80 : i32
      %scan3A_252 = arith.addi %scan3A_250, %scan3A_251 : i32
      %scan3A_253 = arith.constant 1 : i32
      %scan3A_254 = scf.for %scan3A_276 = %scan3A_250 to %scan3A_252 step %scan3A_253 iter_args(%scan3A_277 = %scan3A) -> (i32)  : i32 {
        %get3A = arith.index_cast %mul3A_186 : i32 to index
        %get3A_278 = arith.index_cast %scan3A_276 : i32 to index
        %get3A_279 = arith.constant 0 : index
        %get3A_280 = tpu.vector_load %arg14[%get3A, %get3A_278, %get3A_279] {strides = array<i32>} : memref<6x128x32xf32, #tpu.memory_space<vmem>>, vector<1x1x16xf32>,
        %get3A_281 = vector.shape_cast %get3A_280 : vector<1x1x16xf32> to vector<16xf32>
        %add3A_282 = arith.constant 1 : i32
        %add3A_283 = arith.addi %mul3A_186, %add3A_282 : i32
        %get3A_284 = arith.index_cast %add3A_283 : i32 to index
        %get3A_285 = arith.index_cast %scan3A_276 : i32 to index
        %get3A_286 = arith.constant 0 : index
        %get3A_287 = tpu.vector_load %arg14[%get3A_284, %get3A_285, %get3A_286] {strides = array<i32>} : memref<6x128x32xf32, #tpu.memory_space<vmem>>, vector<1x1x16xf32>,
        %get3A_288 = vector.shape_cast %get3A_287 : vector<1x1x16xf32> to vector<16xf32>
        %add3A_289 = arith.addf %get3A_281, %get3A_288 : vector<16xf32>
        %add3A_290 = arith.constant 2 : i32
        %add3A_291 = arith.addi %mul3A_186, %add3A_290 : i32
        %get3A_292 = arith.index_cast %add3A_291 : i32 to index
        %get3A_293 = arith.index_cast %scan3A_276 : i32 to index
        %get3A_294 = arith.constant 0 : index
        %get3A_295 = tpu.vector_load %arg14[%get3A_292, %get3A_293, %get3A_294] {strides = array<i32>} : memref<6x128x32xf32, #tpu.memory_space<vmem>>, vector<1x1x16xf32>,
        %get3A_296 = vector.shape_cast %get3A_295 : vector<1x1x16xf32> to vector<16xf32>
        %add3A_297 = arith.addf %add3A_289, %get3A_296 : vector<16xf32>
        %mul3A_298 = vector.broadcast %while3A_148 : f32 to vector<16xf32>
        %mul3A_299 = arith.mulf %add3A_297, %mul3A_298 : vector<16xf32>
        %swap3A = arith.index_cast %mul3A_186 : i32 to index
        %swap3A_300 = arith.index_cast %scan3A_276 : i32 to index
        %swap3A_301 = arith.constant 0 : index
        %swap3A_302 = tpu.vector_load %arg14[%swap3A, %swap3A_300, %swap3A_301] {strides = array<i32>} : memref<6x128x32xf32, #tpu.memory_space<vmem>>, vector<1x1x16xf32>,
        %swap3A_303 = vector.shape_cast %swap3A_302 : vector<1x1x16xf32> to vector<16xf32>
        %swap3A_304 = vector.shape_cast %mul3A_299 : vector<16xf32> to vector<1x1x16xf32>
        tpu.vector_store %arg14[%swap3A, %swap3A_300, %swap3A_301], %swap3A_304 {strides = array<i32>} : memref<6x128x32xf32, #tpu.memory_space<vmem>>, vector<1x1x16xf32>,
        %get3A_305 = arith.index_cast %mul3A_186 : i32 to index
        %get3A_306 = arith.index_cast %scan3A_276 : i32 to index
        %get3A_307 = arith.constant 16 : index
        %get3A_308 = tpu.vector_load %arg14[%get3A_305, %get3A_306, %get3A_307] {strides = array<i32>} : memref<6x128x32xf32, #tpu.memory_space<vmem>>, vector<1x1x16xf32>,
        %get3A_309 = vector.shape_cast %get3A_308 : vector<1x1x16xf32> to vector<16xf32>
        %add3A_310 = arith.constant 1 : i32
        %add3A_311 = arith.addi %mul3A_186, %add3A_310 : i32
        %get3A_312 = arith.index_cast %add3A_311 : i32 to index
        %get3A_313 = arith.index_cast %scan3A_276 : i32 to index
        %get3A_314 = arith.constant 16 : index
        %get3A_315 = tpu.vector_load %arg14[%get3A_312, %get3A_313, %get3A_314] {strides = array<i32>} : memref<6x128x32xf32, #tpu.memory_space<vmem>>, vector<1x1x16xf32>,
        %get3A_316 = vector.shape_cast %get3A_315 : vector<1x1x16xf32> to vector<16xf32>
        %add3A_317 = arith.addf %get3A_309, %get3A_316 : vector<16xf32>
        %add3A_318 = arith.constant 2 : i32
        %add3A_319 = arith.addi %mul3A_186, %add3A_318 : i32
        %get3A_320 = arith.index_cast %add3A_319 : i32 to index
        %get3A_321 = arith.index_cast %scan3A_276 : i32 to index
        %get3A_322 = arith.constant 16 : index
        %get3A_323 = tpu.vector_load %arg14[%get3A_320, %get3A_321, %get3A_322] {strides = array<i32>} : memref<6x128x32xf32, #tpu.memory_space<vmem>>, vector<1x1x16xf32>,
        %get3A_324 = vector.shape_cast %get3A_323 : vector<1x1x16xf32> to vector<16xf32>
        %add3A_325 = arith.addf %add3A_317, %get3A_324 : vector<16xf32>
        %mul3A_326 = vector.broadcast %while3A_148 : f32 to vector<16xf32>
        %mul3A_327 = arith.mulf %add3A_325, %mul3A_326 : vector<16xf32>
        %swap3A_328 = arith.index_cast %mul3A_186 : i32 to index
        %swap3A_329 = arith.index_cast %scan3A_276 : i32 to index
        %swap3A_330 = arith.constant 16 : index
        %swap3A_331 = tpu.vector_load %arg14[%swap3A_328, %swap3A_329, %swap3A_330] {strides = array<i32>} : memref<6x128x32xf32, #tpu.memory_space<vmem>>, vector<1x1x16xf32>,
        %swap3A_332 = vector.shape_cast %swap3A_331 : vector<1x1x16xf32> to vector<16xf32>
        %swap3A_333 = vector.shape_cast %mul3A_327 : vector<16xf32> to vector<1x1x16xf32>
        tpu.vector_store %arg14[%swap3A_328, %swap3A_329, %swap3A_330], %swap3A_333 {strides = array<i32>} : memref<6x128x32xf32, #tpu.memory_space<vmem>>, vector<1x1x16xf32>,
        %scan3A_334 = arith.constant 0 : i32
        scf.yield %scan3A_334 : i32
      }
      %scan3A_255 = arith.constant 80 : i32
      %mul3A_256 = arith.constant 16 : i32
      %mul3A_257 = arith.muli %while3A_171, %mul3A_256 : i32
      %add3A_258 = arith.addi %arg1, %mul3A_257 : i32
      %mul3A_259 = arith.constant 80 : i32
      %mul3A_260 = arith.muli %add3A_258, %mul3A_259 : i32
      %add3A_261 = arith.addi %mul3A_0, %mul3A_260 : i32
      %dma_start3A = arith.constant 0 : i32
      %dma_start3A_262 = arith.constant 0 : i32
      %dma_start3A_263 = tpu.memref_slice %arg14[%mul3A_186, %dma_start3A, %dma_start3A_262] : memref<6x128x32xf32, #tpu.memory_space<vmem>> -> memref<1x80x32xf32, #tpu.memory_space<vmem>>
      %dma_start3A_264 = tpu.memref_squeeze %dma_start3A_263 : memref<1x80x32xf32, #tpu.memory_space<vmem>> -> memref<80x32xf32, #tpu.memory_space<vmem>>
      %dma_start3A_265 = arith.constant 0 : i32
      %dma_start3A_266 = tpu.memref_slice %arg7[%add3A_261, %dma_start3A_265] : memref<100000x32xf32, #tpu.memory_space<hbm>> -> memref<80x32xf32, #tpu.memory_space<hbm>>
      %dma_start3A_267 = tpu.memref_slice %arg17[%mul3A_186] : memref<6x!tpu.dma_semaphore, #tpu.memory_space<semaphore_mem>> -> memref<1x!tpu.dma_semaphore, #tpu.memory_space<semaphore_mem>>
      %dma_start3A_268 = tpu.memref_squeeze %dma_start3A_267 : memref<1x!tpu.dma_semaphore, #tpu.memory_space<semaphore_mem>> -> memref<!tpu.dma_semaphore, #tpu.memory_space<semaphore_mem>>
      %dma_start3A_269 = arith.constant 0 : i32
      %dma_start3A_270 = tpu.memref_slice %arg7[%add3A_261, %dma_start3A_269] : memref<100000x32xf32, #tpu.memory_space<hbm>> -> memref<80x32xf32, #tpu.memory_space<hbm>>
      %dma_start3A_271 = arith.constant 0 : i32
      %dma_start3A_272 = arith.constant 0 : i32
      %dma_start3A_273 = tpu.memref_slice %arg14[%mul3A_186, %dma_start3A_271, %dma_start3A_272] : memref<6x128x32xf32, #tpu.memory_space<vmem>> -> memref<1x80x32xf32, #tpu.memory_space<vmem>>
      %dma_start3A_274 = tpu.memref_squeeze %dma_start3A_273 : memref<1x80x32xf32, #tpu.memory_space<vmem>> -> memref<80x32xf32, #tpu.memory_space<vmem>>
      tpu.enqueue_dma source(%dma_start3A_274 : memref<80x32xf32, #tpu.memory_space<vmem>>) target(%dma_start3A_270 : memref<80x32xf32, #tpu.memory_space<hbm>>) target_semaphore(%dma_start3A_268 : memref<!tpu.dma_semaphore, #tpu.memory_space<semaphore_mem>>)
      %while3A_275 = arith.constant 0 : i32
      scf.yield %while3A_275 : i32
    }
    %while3A_159 = arith.constant 1 : i32
    %while3A_160 = scf.for %while3A_171 = %while3A_156 to %while3A_152 step %while3A_159 iter_args(%while3A_172 = %while3A_158) -> (i32)  : i32 {
      %jit3A_173 = arith.constant 2 : i32
      %eq3A = arith.constant 0 : i32
      %eq3A_174 = arith.cmpi eq, %jit3A_173, %eq3A : i32
      %jit3A_175 = arith.constant 1 : i32
      %select_n3A_176 = arith.select %eq3A_174, %jit3A_175, %jit3A_173 : i32
      %rem3A = arith.remsi %while3A_171, %select_n3A_176 : i32
      %ne3A = arith.constant 0 : i32
      %ne3A_177 = arith.cmpi ne, %rem3A, %ne3A : i32
      %lt3A_178 = arith.constant 0 : i32
      %lt3A_179 = arith.cmpi slt, %rem3A, %lt3A_178 : i32
      %lt3A_180 = arith.constant 0 : i32
      %lt3A_181 = arith.cmpi slt, %select_n3A_176, %lt3A_180 : i32
      %ne3A_182 = arith.xori %lt3A_179, %lt3A_181 : i1
      %and3A = arith.andi %ne3A_182, %ne3A_177 : i1
      %add3A_183 = arith.addi %rem3A, %select_n3A_176 : i32
      %select_n3A_184 = arith.select %and3A, %add3A_183, %rem3A : i32
      %mul3A_185 = arith.constant 3 : i32
      %mul3A_186 = arith.muli %mul3A_185, %select_n3A_184 : i32
      %sub3A = arith.constant 3 : i32
      %sub3A_187 = arith.subi %sub3A, %mul3A_186 : i32
      %add3A_188 = arith.constant 1 : i32
      %add3A_189 = arith.addi %while3A_171, %add3A_188 : i32
      %lt3A_190 = arith.cmpi slt, %add3A_189, %add3A_12 : i32
      %convert_element_type3A_191 = arith.extui %lt3A_190 : i1 to i32
      %cond3A_192 = arith.constant 0 : i32
      %cond3A_193 = arith.cmpi ne, %convert_element_type3A_191, %cond3A_192 : i32
      scf.if %cond3A_193 {
        %ge3A_276 = arith.constant 1 : i32
        %ge3A_277 = arith.cmpi sge, %while3A_171, %ge3A_276 : i32
        %convert_element_type3A_278 = arith.extui %ge3A_277 : i1 to i32
        %cond3A_279 = arith.constant 0 : i32
        %cond3A_280 = arith.cmpi ne, %convert_element_type3A_278, %cond3A_279 : i32
        scf.if %cond3A_280 {
          %sub3A_340 = arith.constant 1 : i32
          %sub3A_341 = arith.subi %while3A_171, %sub3A_340 : i32
          %mul3A_342 = arith.constant 16 : i32
          %mul3A_343 = arith.muli %sub3A_341, %mul3A_342 : i32
          %add3A_344 = arith.addi %arg1, %mul3A_343 : i32
          %mul3A_345 = arith.constant 80 : i32
          %mul3A_346 = arith.muli %add3A_344, %mul3A_345 : i32
          %add3A_347 = arith.addi %mul3A_0, %mul3A_346 : i32
          %dma_wait3A_348 = arith.constant 0 : i32
          %dma_wait3A_349 = arith.constant 0 : i32
          %dma_wait3A_350 = tpu.memref_slice %arg14[%sub3A_187, %dma_wait3A_348, %dma_wait3A_349] : memref<6x128x32xf32, #tpu.memory_space<vmem>> -> memref<1x80x32xf32, #tpu.memory_space<vmem>>
          %dma_wait3A_351 = tpu.memref_squeeze %dma_wait3A_350 : memref<1x80x32xf32, #tpu.memory_space<vmem>> -> memref<80x32xf32, #tpu.memory_space<vmem>>
          %dma_wait3A_352 = arith.constant 0 : i32
          %dma_wait3A_353 = tpu.memref_slice %arg7[%add3A_347, %dma_wait3A_352] : memref<100000x32xf32, #tpu.memory_space<hbm>> -> memref<80x32xf32, #tpu.memory_space<hbm>>
          %dma_wait3A_354 = tpu.memref_slice %arg17[%sub3A_187] : memref<6x!tpu.dma_semaphore, #tpu.memory_space<semaphore_mem>> -> memref<1x!tpu.dma_semaphore, #tpu.memory_space<semaphore_mem>>
          %dma_wait3A_355 = tpu.memref_squeeze %dma_wait3A_354 : memref<1x!tpu.dma_semaphore, #tpu.memory_space<semaphore_mem>> -> memref<!tpu.dma_semaphore, #tpu.memory_space<semaphore_mem>>
          %dma_wait3A_356 = arith.constant 0 : i32
          %dma_wait3A_357 = tpu.memref_slice %arg7[%add3A_347, %dma_wait3A_356] : memref<100000x32xf32, #tpu.memory_space<hbm>> -> memref<80x32xf32, #tpu.memory_space<hbm>>
          %dma_wait3A_358 = arith.constant 0 : i32
          %dma_wait3A_359 = arith.constant 0 : i32
          %dma_wait3A_360 = tpu.memref_slice %arg14[%sub3A_187, %dma_wait3A_358, %dma_wait3A_359] : memref<6x128x32xf32, #tpu.memory_space<vmem>> -> memref<1x80x32xf32, #tpu.memory_space<vmem>>
          %dma_wait3A_361 = tpu.memref_squeeze %dma_wait3A_360 : memref<1x80x32xf32, #tpu.memory_space<vmem>> -> memref<80x32xf32, #tpu.memory_space<vmem>>
          tpu.wait_dma2 semaphore(%dma_wait3A_355 : memref<!tpu.dma_semaphore, #tpu.memory_space<semaphore_mem>>) src(%dma_wait3A_361 : memref<80x32xf32, #tpu.memory_space<vmem>>) dst(%dma_wait3A_357 : memref<80x32xf32, #tpu.memory_space<hbm>>)
        } else {
        }
        %add3A_281 = arith.constant 1 : i32
        %add3A_282 = arith.addi %while3A_171, %add3A_281 : i32
        %mul3A_283 = arith.constant 16 : i32
        %mul3A_284 = arith.muli %add3A_282, %mul3A_283 : i32
        %add3A_285 = arith.addi %arg1, %mul3A_284 : i32
        %mul3A_286 = arith.constant 80 : i32
        %mul3A_287 = arith.muli %add3A_285, %mul3A_286 : i32
        %add3A_288 = arith.addi %mul3A_0, %mul3A_287 : i32
        %dma_start3A_289 = arith.constant 0 : i32
        %dma_start3A_290 = arith.constant 0 : i32
        %dma_start3A_291 = tpu.memref_slice %arg14[%sub3A_187, %dma_start3A_289, %dma_start3A_290] : memref<6x128x32xf32, #tpu.memory_space<vmem>> -> memref<1x80x32xf32, #tpu.memory_space<vmem>>
        %dma_start3A_292 = tpu.memref_squeeze %dma_start3A_291 : memref<1x80x32xf32, #tpu.memory_space<vmem>> -> memref<80x32xf32, #tpu.memory_space<vmem>>
        %dma_start3A_293 = arith.constant 0 : i32
        %dma_start3A_294 = tpu.memref_slice %arg8[%add3A_288, %dma_start3A_293] : memref<100000x32xf32, #tpu.memory_space<hbm>> -> memref<80x32xf32, #tpu.memory_space<hbm>>
        %dma_start3A_295 = tpu.memref_slice %arg16[%sub3A_187] : memref<6x!tpu.dma_semaphore, #tpu.memory_space<semaphore_mem>> -> memref<1x!tpu.dma_semaphore, #tpu.memory_space<semaphore_mem>>
        %dma_start3A_296 = tpu.memref_squeeze %dma_start3A_295 : memref<1x!tpu.dma_semaphore, #tpu.memory_space<semaphore_mem>> -> memref<!tpu.dma_semaphore, #tpu.memory_space<semaphore_mem>>
        %dma_start3A_297 = arith.constant 0 : i32
        %dma_start3A_298 = arith.constant 0 : i32
        %dma_start3A_299 = tpu.memref_slice %arg14[%sub3A_187, %dma_start3A_297, %dma_start3A_298] : memref<6x128x32xf32, #tpu.memory_space<vmem>> -> memref<1x80x32xf32, #tpu.memory_space<vmem>>
        %dma_start3A_300 = tpu.memref_squeeze %dma_start3A_299 : memref<1x80x32xf32, #tpu.memory_space<vmem>> -> memref<80x32xf32, #tpu.memory_space<vmem>>
        %dma_start3A_301 = arith.constant 0 : i32
        %dma_start3A_302 = tpu.memref_slice %arg8[%add3A_288, %dma_start3A_301] : memref<100000x32xf32, #tpu.memory_space<hbm>> -> memref<80x32xf32, #tpu.memory_space<hbm>>
        tpu.enqueue_dma source(%dma_start3A_302 : memref<80x32xf32, #tpu.memory_space<hbm>>) target(%dma_start3A_300 : memref<80x32xf32, #tpu.memory_space<vmem>>) target_semaphore(%dma_start3A_296 : memref<!tpu.dma_semaphore, #tpu.memory_space<semaphore_mem>>)
        %add3A_303 = arith.addi %mul3A_0, %mul3A_287 : i32
        %add3A_304 = arith.constant 1 : i32
        %add3A_305 = arith.addi %sub3A_187, %add3A_304 : i32
        %add3A_306 = arith.constant 1 : i32
        %add3A_307 = arith.addi %sub3A_187, %add3A_306 : i32
        %dma_start3A_308 = arith.constant 0 : i32
        %dma_start3A_309 = arith.constant 0 : i32
        %dma_start3A_310 = tpu.memref_slice %arg14[%add3A_305, %dma_start3A_308, %dma_start3A_309] : memref<6x128x32xf32, #tpu.memory_space<vmem>> -> memref<1x80x32xf32, #tpu.memory_space<vmem>>
        %dma_start3A_311 = tpu.memref_squeeze %dma_start3A_310 : memref<1x80x32xf32, #tpu.memory_space<vmem>> -> memref<80x32xf32, #tpu.memory_space<vmem>>
        %dma_start3A_312 = arith.constant 0 : i32
        %dma_start3A_313 = tpu.memref_slice %arg9[%add3A_303, %dma_start3A_312] : memref<100000x32xf32, #tpu.memory_space<hbm>> -> memref<80x32xf32, #tpu.memory_space<hbm>>
        %dma_start3A_314 = tpu.memref_slice %arg16[%add3A_307] : memref<6x!tpu.dma_semaphore, #tpu.memory_space<semaphore_mem>> -> memref<1x!tpu.dma_semaphore, #tpu.memory_space<semaphore_mem>>
        %dma_start3A_315 = tpu.memref_squeeze %dma_start3A_314 : memref<1x!tpu.dma_semaphore, #tpu.memory_space<semaphore_mem>> -> memref<!tpu.dma_semaphore, #tpu.memory_space<semaphore_mem>>
        %dma_start3A_316 = arith.constant 0 : i32
        %dma_start3A_317 = arith.constant 0 : i32
        %dma_start3A_318 = tpu.memref_slice %arg14[%add3A_305, %dma_start3A_316, %dma_start3A_317] : memref<6x128x32xf32, #tpu.memory_space<vmem>> -> memref<1x80x32xf32, #tpu.memory_space<vmem>>
        %dma_start3A_319 = tpu.memref_squeeze %dma_start3A_318 : memref<1x80x32xf32, #tpu.memory_space<vmem>> -> memref<80x32xf32, #tpu.memory_space<vmem>>
        %dma_start3A_320 = arith.constant 0 : i32
        %dma_start3A_321 = tpu.memref_slice %arg9[%add3A_303, %dma_start3A_320] : memref<100000x32xf32, #tpu.memory_space<hbm>> -> memref<80x32xf32, #tpu.memory_space<hbm>>
        tpu.enqueue_dma source(%dma_start3A_321 : memref<80x32xf32, #tpu.memory_space<hbm>>) target(%dma_start3A_319 : memref<80x32xf32, #tpu.memory_space<vmem>>) target_semaphore(%dma_start3A_315 : memref<!tpu.dma_semaphore, #tpu.memory_space<semaphore_mem>>)
        %add3A_322 = arith.constant 2 : i32
        %add3A_323 = arith.addi %sub3A_187, %add3A_322 : i32
        %add3A_324 = arith.constant 2 : i32
        %add3A_325 = arith.addi %sub3A_187, %add3A_324 : i32
        %dma_start3A_326 = arith.constant 0 : i32
        %dma_start3A_327 = arith.constant 0 : i32
        %dma_start3A_328 = tpu.memref_slice %arg14[%add3A_323, %dma_start3A_326, %dma_start3A_327] : memref<6x128x32xf32, #tpu.memory_space<vmem>> -> memref<1x80x32xf32, #tpu.memory_space<vmem>>
        %dma_start3A_329 = tpu.memref_squeeze %dma_start3A_328 : memref<1x80x32xf32, #tpu.memory_space<vmem>> -> memref<80x32xf32, #tpu.memory_space<vmem>>
        %dma_start3A_330 = arith.constant 0 : i32
        %dma_start3A_331 = tpu.memref_slice %arg10[%mul3A_287, %dma_start3A_330] : memref<50000x32xf32, #tpu.memory_space<vmem_shared>> -> memref<80x32xf32, #tpu.memory_space<vmem_shared>>
        %dma_start3A_332 = tpu.memref_slice %arg16[%add3A_325] : memref<6x!tpu.dma_semaphore, #tpu.memory_space<semaphore_mem>> -> memref<1x!tpu.dma_semaphore, #tpu.memory_space<semaphore_mem>>
        %dma_start3A_333 = tpu.memref_squeeze %dma_start3A_332 : memref<1x!tpu.dma_semaphore, #tpu.memory_space<semaphore_mem>> -> memref<!tpu.dma_semaphore, #tpu.memory_space<semaphore_mem>>
        %dma_start3A_334 = arith.constant 0 : i32
        %dma_start3A_335 = arith.constant 0 : i32
        %dma_start3A_336 = tpu.memref_slice %arg14[%add3A_323, %dma_start3A_334, %dma_start3A_335] : memref<6x128x32xf32, #tpu.memory_space<vmem>> -> memref<1x80x32xf32, #tpu.memory_space<vmem>>
        %dma_start3A_337 = tpu.memref_squeeze %dma_start3A_336 : memref<1x80x32xf32, #tpu.memory_space<vmem>> -> memref<80x32xf32, #tpu.memory_space<vmem>>
        %dma_start3A_338 = arith.constant 0 : i32
        %dma_start3A_339 = tpu.memref_slice %arg10[%mul3A_287, %dma_start3A_338] : memref<50000x32xf32, #tpu.memory_space<vmem_shared>> -> memref<80x32xf32, #tpu.memory_space<vmem_shared>>
        tpu.enqueue_dma source(%dma_start3A_339 : memref<80x32xf32, #tpu.memory_space<vmem_shared>>) target(%dma_start3A_337 : memref<80x32xf32, #tpu.memory_space<vmem>>) target_semaphore(%dma_start3A_333 : memref<!tpu.dma_semaphore, #tpu.memory_space<semaphore_mem>>)
      } else {
      }
      %mul3A_194 = arith.constant 16 : i32
      %mul3A_195 = arith.muli %while3A_171, %mul3A_194 : i32
      %add3A_196 = arith.addi %arg1, %mul3A_195 : i32
      %mul3A_197 = arith.constant 80 : i32
      %mul3A_198 = arith.muli %add3A_196, %mul3A_197 : i32
      %add3A_199 = arith.addi %mul3A_0, %mul3A_198 : i32
      %dma_wait3A = arith.constant 0 : i32
      %dma_wait3A_200 = arith.constant 0 : i32
      %dma_wait3A_201 = tpu.memref_slice %arg14[%mul3A_186, %dma_wait3A, %dma_wait3A_200] : memref<6x128x32xf32, #tpu.memory_space<vmem>> -> memref<1x80x32xf32, #tpu.memory_space<vmem>>
      %dma_wait3A_202 = tpu.memref_squeeze %dma_wait3A_201 : memref<1x80x32xf32, #tpu.memory_space<vmem>> -> memref<80x32xf32, #tpu.memory_space<vmem>>
      %dma_wait3A_203 = arith.constant 0 : i32
      %dma_wait3A_204 = tpu.memref_slice %arg8[%add3A_199, %dma_wait3A_203] : memref<100000x32xf32, #tpu.memory_space<hbm>> -> memref<80x32xf32, #tpu.memory_space<hbm>>
      %dma_wait3A_205 = tpu.memref_slice %arg16[%mul3A_186] : memref<6x!tpu.dma_semaphore, #tpu.memory_space<semaphore_mem>> -> memref<1x!tpu.dma_semaphore, #tpu.memory_space<semaphore_mem>>
      %dma_wait3A_206 = tpu.memref_squeeze %dma_wait3A_205 : memref<1x!tpu.dma_semaphore, #tpu.memory_space<semaphore_mem>> -> memref<!tpu.dma_semaphore, #tpu.memory_space<semaphore_mem>>
      %dma_wait3A_207 = arith.constant 0 : i32
      %dma_wait3A_208 = arith.constant 0 : i32
      %dma_wait3A_209 = tpu.memref_slice %arg14[%mul3A_186, %dma_wait3A_207, %dma_wait3A_208] : memref<6x128x32xf32, #tpu.memory_space<vmem>> -> memref<1x80x32xf32, #tpu.memory_space<vmem>>
      %dma_wait3A_210 = tpu.memref_squeeze %dma_wait3A_209 : memref<1x80x32xf32, #tpu.memory_space<vmem>> -> memref<80x32xf32, #tpu.memory_space<vmem>>
      %dma_wait3A_211 = arith.constant 0 : i32
      %dma_wait3A_212 = tpu.memref_slice %arg8[%add3A_199, %dma_wait3A_211] : memref<100000x32xf32, #tpu.memory_space<hbm>> -> memref<80x32xf32, #tpu.memory_space<hbm>>
      tpu.wait_dma2 semaphore(%dma_wait3A_206 : memref<!tpu.dma_semaphore, #tpu.memory_space<semaphore_mem>>) src(%dma_wait3A_212 : memref<80x32xf32, #tpu.memory_space<hbm>>) dst(%dma_wait3A_210 : memref<80x32xf32, #tpu.memory_space<vmem>>)
      %add3A_213 = arith.addi %mul3A_0, %mul3A_198 : i32
      %add3A_214 = arith.constant 1 : i32
      %add3A_215 = arith.addi %mul3A_186, %add3A_214 : i32
      %add3A_216 = arith.constant 1 : i32
      %add3A_217 = arith.addi %mul3A_186, %add3A_216 : i32
      %dma_wait3A_218 = arith.constant 0 : i32
      %dma_wait3A_219 = arith.constant 0 : i32
      %dma_wait3A_220 = tpu.memref_slice %arg14[%add3A_215, %dma_wait3A_218, %dma_wait3A_219] : memref<6x128x32xf32, #tpu.memory_space<vmem>> -> memref<1x80x32xf32, #tpu.memory_space<vmem>>
      %dma_wait3A_221 = tpu.memref_squeeze %dma_wait3A_220 : memref<1x80x32xf32, #tpu.memory_space<vmem>> -> memref<80x32xf32, #tpu.memory_space<vmem>>
      %dma_wait3A_222 = arith.constant 0 : i32
      %dma_wait3A_223 = tpu.memref_slice %arg9[%add3A_213, %dma_wait3A_222] : memref<100000x32xf32, #tpu.memory_space<hbm>> -> memref<80x32xf32, #tpu.memory_space<hbm>>
      %dma_wait3A_224 = tpu.memref_slice %arg16[%add3A_217] : memref<6x!tpu.dma_semaphore, #tpu.memory_space<semaphore_mem>> -> memref<1x!tpu.dma_semaphore, #tpu.memory_space<semaphore_mem>>
      %dma_wait3A_225 = tpu.memref_squeeze %dma_wait3A_224 : memref<1x!tpu.dma_semaphore, #tpu.memory_space<semaphore_mem>> -> memref<!tpu.dma_semaphore, #tpu.memory_space<semaphore_mem>>
      %dma_wait3A_226 = arith.constant 0 : i32
      %dma_wait3A_227 = arith.constant 0 : i32
      %dma_wait3A_228 = tpu.memref_slice %arg14[%add3A_215, %dma_wait3A_226, %dma_wait3A_227] : memref<6x128x32xf32, #tpu.memory_space<vmem>> -> memref<1x80x32xf32, #tpu.memory_space<vmem>>
      %dma_wait3A_229 = tpu.memref_squeeze %dma_wait3A_228 : memref<1x80x32xf32, #tpu.memory_space<vmem>> -> memref<80x32xf32, #tpu.memory_space<vmem>>
      %dma_wait3A_230 = arith.constant 0 : i32
      %dma_wait3A_231 = tpu.memref_slice %arg9[%add3A_213, %dma_wait3A_230] : memref<100000x32xf32, #tpu.memory_space<hbm>> -> memref<80x32xf32, #tpu.memory_space<hbm>>
      tpu.wait_dma2 semaphore(%dma_wait3A_225 : memref<!tpu.dma_semaphore, #tpu.memory_space<semaphore_mem>>) src(%dma_wait3A_231 : memref<80x32xf32, #tpu.memory_space<hbm>>) dst(%dma_wait3A_229 : memref<80x32xf32, #tpu.memory_space<vmem>>)
      %add3A_232 = arith.constant 2 : i32
      %add3A_233 = arith.addi %mul3A_186, %add3A_232 : i32
      %add3A_234 = arith.constant 2 : i32
      %add3A_235 = arith.addi %mul3A_186, %add3A_234 : i32
      %dma_wait3A_236 = arith.constant 0 : i32
      %dma_wait3A_237 = arith.constant 0 : i32
      %dma_wait3A_238 = tpu.memref_slice %arg14[%add3A_233, %dma_wait3A_236, %dma_wait3A_237] : memref<6x128x32xf32, #tpu.memory_space<vmem>> -> memref<1x80x32xf32, #tpu.memory_space<vmem>>
      %dma_wait3A_239 = tpu.memref_squeeze %dma_wait3A_238 : memref<1x80x32xf32, #tpu.memory_space<vmem>> -> memref<80x32xf32, #tpu.memory_space<vmem>>
      %dma_wait3A_240 = arith.constant 0 : i32
      %dma_wait3A_241 = tpu.memref_slice %arg10[%mul3A_198, %dma_wait3A_240] : memref<50000x32xf32, #tpu.memory_space<vmem_shared>> -> memref<80x32xf32, #tpu.memory_space<vmem_shared>>
      %dma_wait3A_242 = tpu.memref_slice %arg16[%add3A_235] : memref<6x!tpu.dma_semaphore, #tpu.memory_space<semaphore_mem>> -> memref<1x!tpu.dma_semaphore, #tpu.memory_space<semaphore_mem>>
      %dma_wait3A_243 = tpu.memref_squeeze %dma_wait3A_242 : memref<1x!tpu.dma_semaphore, #tpu.memory_space<semaphore_mem>> -> memref<!tpu.dma_semaphore, #tpu.memory_space<semaphore_mem>>
      %dma_wait3A_244 = arith.constant 0 : i32
      %dma_wait3A_245 = arith.constant 0 : i32
      %dma_wait3A_246 = tpu.memref_slice %arg14[%add3A_233, %dma_wait3A_244, %dma_wait3A_245] : memref<6x128x32xf32, #tpu.memory_space<vmem>> -> memref<1x80x32xf32, #tpu.memory_space<vmem>>
      %dma_wait3A_247 = tpu.memref_squeeze %dma_wait3A_246 : memref<1x80x32xf32, #tpu.memory_space<vmem>> -> memref<80x32xf32, #tpu.memory_space<vmem>>
      %dma_wait3A_248 = arith.constant 0 : i32
      %dma_wait3A_249 = tpu.memref_slice %arg10[%mul3A_198, %dma_wait3A_248] : memref<50000x32xf32, #tpu.memory_space<vmem_shared>> -> memref<80x32xf32, #tpu.memory_space<vmem_shared>>
      tpu.wait_dma2 semaphore(%dma_wait3A_243 : memref<!tpu.dma_semaphore, #tpu.memory_space<semaphore_mem>>) src(%dma_wait3A_249 : memref<80x32xf32, #tpu.memory_space<vmem_shared>>) dst(%dma_wait3A_247 : memref<80x32xf32, #tpu.memory_space<vmem>>)
      %scan3A = arith.constant 0 : i32
      %scan3A_250 = arith.constant 0 : i32
      %scan3A_251 = arith.constant 80 : i32
      %scan3A_252 = arith.addi %scan3A_250, %scan3A_251 : i32
      %scan3A_253 = arith.constant 1 : i32
      %scan3A_254 = scf.for %scan3A_276 = %scan3A_250 to %scan3A_252 step %scan3A_253 iter_args(%scan3A_277 = %scan3A) -> (i32)  : i32 {
        %get3A = arith.index_cast %mul3A_186 : i32 to index
        %get3A_278 = arith.index_cast %scan3A_276 : i32 to index
        %get3A_279 = arith.constant 0 : index
        %get3A_280 = tpu.vector_load %arg14[%get3A, %get3A_278, %get3A_279] {strides = array<i32>} : memref<6x128x32xf32, #tpu.memory_space<vmem>>, vector<1x1x16xf32>,
        %get3A_281 = vector.shape_cast %get3A_280 : vector<1x1x16xf32> to vector<16xf32>
        %add3A_282 = arith.constant 1 : i32
        %add3A_283 = arith.addi %mul3A_186, %add3A_282 : i32
        %get3A_284 = arith.index_cast %add3A_283 : i32 to index
        %get3A_285 = arith.index_cast %scan3A_276 : i32 to index
        %get3A_286 = arith.constant 0 : index
        %get3A_287 = tpu.vector_load %arg14[%get3A_284, %get3A_285, %get3A_286] {strides = array<i32>} : memref<6x128x32xf32, #tpu.memory_space<vmem>>, vector<1x1x16xf32>,
        %get3A_288 = vector.shape_cast %get3A_287 : vector<1x1x16xf32> to vector<16xf32>
        %add3A_289 = arith.addf %get3A_281, %get3A_288 : vector<16xf32>
        %add3A_290 = arith.constant 2 : i32
        %add3A_291 = arith.addi %mul3A_186, %add3A_290 : i32
        %get3A_292 = arith.index_cast %add3A_291 : i32 to index
        %get3A_293 = arith.index_cast %scan3A_276 : i32 to index
        %get3A_294 = arith.constant 0 : index
        %get3A_295 = tpu.vector_load %arg14[%get3A_292, %get3A_293, %get3A_294] {strides = array<i32>} : memref<6x128x32xf32, #tpu.memory_space<vmem>>, vector<1x1x16xf32>,
        %get3A_296 = vector.shape_cast %get3A_295 : vector<1x1x16xf32> to vector<16xf32>
        %add3A_297 = arith.addf %add3A_289, %get3A_296 : vector<16xf32>
        %mul3A_298 = vector.broadcast %while3A_148 : f32 to vector<16xf32>
        %mul3A_299 = arith.mulf %add3A_297, %mul3A_298 : vector<16xf32>
        %swap3A = arith.index_cast %mul3A_186 : i32 to index
        %swap3A_300 = arith.index_cast %scan3A_276 : i32 to index
        %swap3A_301 = arith.constant 0 : index
        %swap3A_302 = tpu.vector_load %arg14[%swap3A, %swap3A_300, %swap3A_301] {strides = array<i32>} : memref<6x128x32xf32, #tpu.memory_space<vmem>>, vector<1x1x16xf32>,
        %swap3A_303 = vector.shape_cast %swap3A_302 : vector<1x1x16xf32> to vector<16xf32>
        %swap3A_304 = vector.shape_cast %mul3A_299 : vector<16xf32> to vector<1x1x16xf32>
        tpu.vector_store %arg14[%swap3A, %swap3A_300, %swap3A_301], %swap3A_304 {strides = array<i32>} : memref<6x128x32xf32, #tpu.memory_space<vmem>>, vector<1x1x16xf32>,
        %get3A_305 = arith.index_cast %mul3A_186 : i32 to index
        %get3A_306 = arith.index_cast %scan3A_276 : i32 to index
        %get3A_307 = arith.constant 16 : index
        %get3A_308 = tpu.vector_load %arg14[%get3A_305, %get3A_306, %get3A_307] {strides = array<i32>} : memref<6x128x32xf32, #tpu.memory_space<vmem>>, vector<1x1x16xf32>,
        %get3A_309 = vector.shape_cast %get3A_308 : vector<1x1x16xf32> to vector<16xf32>
        %add3A_310 = arith.constant 1 : i32
        %add3A_311 = arith.addi %mul3A_186, %add3A_310 : i32
        %get3A_312 = arith.index_cast %add3A_311 : i32 to index
        %get3A_313 = arith.index_cast %scan3A_276 : i32 to index
        %get3A_314 = arith.constant 16 : index
        %get3A_315 = tpu.vector_load %arg14[%get3A_312, %get3A_313, %get3A_314] {strides = array<i32>} : memref<6x128x32xf32, #tpu.memory_space<vmem>>, vector<1x1x16xf32>,
        %get3A_316 = vector.shape_cast %get3A_315 : vector<1x1x16xf32> to vector<16xf32>
        %add3A_317 = arith.addf %get3A_309, %get3A_316 : vector<16xf32>
        %add3A_318 = arith.constant 2 : i32
        %add3A_319 = arith.addi %mul3A_186, %add3A_318 : i32
        %get3A_320 = arith.index_cast %add3A_319 : i32 to index
        %get3A_321 = arith.index_cast %scan3A_276 : i32 to index
        %get3A_322 = arith.constant 16 : index
        %get3A_323 = tpu.vector_load %arg14[%get3A_320, %get3A_321, %get3A_322] {strides = array<i32>} : memref<6x128x32xf32, #tpu.memory_space<vmem>>, vector<1x1x16xf32>,
        %get3A_324 = vector.shape_cast %get3A_323 : vector<1x1x16xf32> to vector<16xf32>
        %add3A_325 = arith.addf %add3A_317, %get3A_324 : vector<16xf32>
        %mul3A_326 = vector.broadcast %while3A_148 : f32 to vector<16xf32>
        %mul3A_327 = arith.mulf %add3A_325, %mul3A_326 : vector<16xf32>
        %swap3A_328 = arith.index_cast %mul3A_186 : i32 to index
        %swap3A_329 = arith.index_cast %scan3A_276 : i32 to index
        %swap3A_330 = arith.constant 16 : index
        %swap3A_331 = tpu.vector_load %arg14[%swap3A_328, %swap3A_329, %swap3A_330] {strides = array<i32>} : memref<6x128x32xf32, #tpu.memory_space<vmem>>, vector<1x1x16xf32>,
        %swap3A_332 = vector.shape_cast %swap3A_331 : vector<1x1x16xf32> to vector<16xf32>
        %swap3A_333 = vector.shape_cast %mul3A_327 : vector<16xf32> to vector<1x1x16xf32>
        tpu.vector_store %arg14[%swap3A_328, %swap3A_329, %swap3A_330], %swap3A_333 {strides = array<i32>} : memref<6x128x32xf32, #tpu.memory_space<vmem>>, vector<1x1x16xf32>,
        %scan3A_334 = arith.constant 0 : i32
        scf.yield %scan3A_334 : i32
      }
      %scan3A_255 = arith.constant 80 : i32
      %mul3A_256 = arith.constant 16 : i32
      %mul3A_257 = arith.muli %while3A_171, %mul3A_256 : i32
      %add3A_258 = arith.addi %arg1, %mul3A_257 : i32
      %mul3A_259 = arith.constant 80 : i32
      %mul3A_260 = arith.muli %add3A_258, %mul3A_259 : i32
      %add3A_261 = arith.addi %mul3A_0, %mul3A_260 : i32
      %dma_start3A = arith.constant 0 : i32
      %dma_start3A_262 = arith.constant 0 : i32
      %dma_start3A_263 = tpu.memref_slice %arg14[%mul3A_186, %dma_start3A, %dma_start3A_262] : memref<6x128x32xf32, #tpu.memory_space<vmem>> -> memref<1x80x32xf32, #tpu.memory_space<vmem>>
      %dma_start3A_264 = tpu.memref_squeeze %dma_start3A_263 : memref<1x80x32xf32, #tpu.memory_space<vmem>> -> memref<80x32xf32, #tpu.memory_space<vmem>>
      %dma_start3A_265 = arith.constant 0 : i32
      %dma_start3A_266 = tpu.memref_slice %arg7[%add3A_261, %dma_start3A_265] : memref<100000x32xf32, #tpu.memory_space<hbm>> -> memref<80x32xf32, #tpu.memory_space<hbm>>
      %dma_start3A_267 = tpu.memref_slice %arg17[%mul3A_186] : memref<6x!tpu.dma_semaphore, #tpu.memory_space<semaphore_mem>> -> memref<1x!tpu.dma_semaphore, #tpu.memory_space<semaphore_mem>>
      %dma_start3A_268 = tpu.memref_squeeze %dma_start3A_267 : memref<1x!tpu.dma_semaphore, #tpu.memory_space<semaphore_mem>> -> memref<!tpu.dma_semaphore, #tpu.memory_space<semaphore_mem>>
      %dma_start3A_269 = arith.constant 0 : i32
      %dma_start3A_270 = tpu.memref_slice %arg7[%add3A_261, %dma_start3A_269] : memref<100000x32xf32, #tpu.memory_space<hbm>> -> memref<80x32xf32, #tpu.memory_space<hbm>>
      %dma_start3A_271 = arith.constant 0 : i32
      %dma_start3A_272 = arith.constant 0 : i32
      %dma_start3A_273 = tpu.memref_slice %arg14[%mul3A_186, %dma_start3A_271, %dma_start3A_272] : memref<6x128x32xf32, #tpu.memory_space<vmem>> -> memref<1x80x32xf32, #tpu.memory_space<vmem>>
      %dma_start3A_274 = tpu.memref_squeeze %dma_start3A_273 : memref<1x80x32xf32, #tpu.memory_space<vmem>> -> memref<80x32xf32, #tpu.memory_space<vmem>>
      tpu.enqueue_dma source(%dma_start3A_274 : memref<80x32xf32, #tpu.memory_space<vmem>>) target(%dma_start3A_270 : memref<80x32xf32, #tpu.memory_space<hbm>>) target_semaphore(%dma_start3A_268 : memref<!tpu.dma_semaphore, #tpu.memory_space<semaphore_mem>>)
      %while3A_275 = arith.constant 0 : i32
      scf.yield %while3A_275 : i32
    }
    %ge3A_161 = arith.constant 2 : i32
    %ge3A_162 = arith.cmpi sge, %add3A_12, %ge3A_161 : i32
    %convert_element_type3A_163 = arith.extui %ge3A_162 : i1 to i32
    %cond3A_164 = arith.constant 0 : i32
    %cond3A_165 = arith.cmpi ne, %convert_element_type3A_163, %cond3A_164 : i32
    scf.if %cond3A_165 {
      %sub3A = arith.constant 2 : i32
      %sub3A_171 = arith.subi %add3A_12, %sub3A : i32
      %sub3A_172 = arith.constant 2 : i32
      %sub3A_173 = arith.subi %add3A_12, %sub3A_172 : i32
      %jit3A_174 = arith.constant 2 : i32
      %eq3A = arith.constant 0 : i32
      %eq3A_175 = arith.cmpi eq, %jit3A_174, %eq3A : i32
      %jit3A_176 = arith.constant 1 : i32
      %select_n3A_177 = arith.select %eq3A_175, %jit3A_176, %jit3A_174 : i32
      %rem3A = arith.remsi %sub3A_173, %select_n3A_177 : i32
      %ne3A = arith.constant 0 : i32
      %ne3A_178 = arith.cmpi ne, %rem3A, %ne3A : i32
      %lt3A_179 = arith.constant 0 : i32
      %lt3A_180 = arith.cmpi slt, %rem3A, %lt3A_179 : i32
      %lt3A_181 = arith.constant 0 : i32
      %lt3A_182 = arith.cmpi slt, %select_n3A_177, %lt3A_181 : i32
      %ne3A_183 = arith.xori %lt3A_180, %lt3A_182 : i1
      %and3A = arith.andi %ne3A_183, %ne3A_178 : i1
      %add3A_184 = arith.addi %rem3A, %select_n3A_177 : i32
      %select_n3A_185 = arith.select %and3A, %add3A_184, %rem3A : i32
      %mul3A_186 = arith.constant 3 : i32
      %mul3A_187 = arith.muli %mul3A_186, %select_n3A_185 : i32
      %mul3A_188 = arith.constant 16 : i32
      %mul3A_189 = arith.muli %sub3A_171, %mul3A_188 : i32
      %add3A_190 = arith.addi %arg1, %mul3A_189 : i32
      %mul3A_191 = arith.constant 80 : i32
      %mul3A_192 = arith.muli %add3A_190, %mul3A_191 : i32
      %add3A_193 = arith.addi %mul3A_0, %mul3A_192 : i32
      %dma_wait3A = arith.constant 0 : i32
      %dma_wait3A_194 = arith.constant 0 : i32
      %dma_wait3A_195 = tpu.memref_slice %arg14[%mul3A_187, %dma_wait3A, %dma_wait3A_194] : memref<6x128x32xf32, #tpu.memory_space<vmem>> -> memref<1x80x32xf32, #tpu.memory_space<vmem>>
      %dma_wait3A_196 = tpu.memref_squeeze %dma_wait3A_195 : memref<1x80x32xf32, #tpu.memory_space<vmem>> -> memref<80x32xf32, #tpu.memory_space<vmem>>
      %dma_wait3A_197 = arith.constant 0 : i32
      %dma_wait3A_198 = tpu.memref_slice %arg7[%add3A_193, %dma_wait3A_197] : memref<100000x32xf32, #tpu.memory_space<hbm>> -> memref<80x32xf32, #tpu.memory_space<hbm>>
      %dma_wait3A_199 = tpu.memref_slice %arg17[%mul3A_187] : memref<6x!tpu.dma_semaphore, #tpu.memory_space<semaphore_mem>> -> memref<1x!tpu.dma_semaphore, #tpu.memory_space<semaphore_mem>>
      %dma_wait3A_200 = tpu.memref_squeeze %dma_wait3A_199 : memref<1x!tpu.dma_semaphore, #tpu.memory_space<semaphore_mem>> -> memref<!tpu.dma_semaphore, #tpu.memory_space<semaphore_mem>>
      %dma_wait3A_201 = arith.constant 0 : i32
      %dma_wait3A_202 = tpu.memref_slice %arg7[%add3A_193, %dma_wait3A_201] : memref<100000x32xf32, #tpu.memory_space<hbm>> -> memref<80x32xf32, #tpu.memory_space<hbm>>
      %dma_wait3A_203 = arith.constant 0 : i32
      %dma_wait3A_204 = arith.constant 0 : i32
      %dma_wait3A_205 = tpu.memref_slice %arg14[%mul3A_187, %dma_wait3A_203, %dma_wait3A_204] : memref<6x128x32xf32, #tpu.memory_space<vmem>> -> memref<1x80x32xf32, #tpu.memory_space<vmem>>
      %dma_wait3A_206 = tpu.memref_squeeze %dma_wait3A_205 : memref<1x80x32xf32, #tpu.memory_space<vmem>> -> memref<80x32xf32, #tpu.memory_space<vmem>>
      tpu.wait_dma2 semaphore(%dma_wait3A_200 : memref<!tpu.dma_semaphore, #tpu.memory_space<semaphore_mem>>) src(%dma_wait3A_206 : memref<80x32xf32, #tpu.memory_space<vmem>>) dst(%dma_wait3A_202 : memref<80x32xf32, #tpu.memory_space<hbm>>)
    } else {
    }
    %ge3A_166 = arith.constant 1 : i32
    %ge3A_167 = arith.cmpi sge, %add3A_12, %ge3A_166 : i32
    %convert_element_type3A_168 = arith.extui %ge3A_167 : i1 to i32
    %cond3A_169 = arith.constant 0 : i32
    %cond3A_170 = arith.cmpi ne, %convert_element_type3A_168, %cond3A_169 : i32
    scf.if %cond3A_170 {
      %sub3A = arith.constant 1 : i32
      %sub3A_171 = arith.subi %add3A_12, %sub3A : i32
      %sub3A_172 = arith.constant 1 : i32
      %sub3A_173 = arith.subi %add3A_12, %sub3A_172 : i32
      %jit3A_174 = arith.constant 2 : i32
      %eq3A = arith.constant 0 : i32
      %eq3A_175 = arith.cmpi eq, %jit3A_174, %eq3A : i32
      %jit3A_176 = arith.constant 1 : i32
      %select_n3A_177 = arith.select %eq3A_175, %jit3A_176, %jit3A_174 : i32
      %rem3A = arith.remsi %sub3A_173, %select_n3A_177 : i32
      %ne3A = arith.constant 0 : i32
      %ne3A_178 = arith.cmpi ne, %rem3A, %ne3A : i32
      %lt3A_179 = arith.constant 0 : i32
      %lt3A_180 = arith.cmpi slt, %rem3A, %lt3A_179 : i32
      %lt3A_181 = arith.constant 0 : i32
      %lt3A_182 = arith.cmpi slt, %select_n3A_177, %lt3A_181 : i32
      %ne3A_183 = arith.xori %lt3A_180, %lt3A_182 : i1
      %and3A = arith.andi %ne3A_183, %ne3A_178 : i1
      %add3A_184 = arith.addi %rem3A, %select_n3A_177 : i32
      %select_n3A_185 = arith.select %and3A, %add3A_184, %rem3A : i32
      %mul3A_186 = arith.constant 3 : i32
      %mul3A_187 = arith.muli %mul3A_186, %select_n3A_185 : i32
      %mul3A_188 = arith.constant 16 : i32
      %mul3A_189 = arith.muli %sub3A_171, %mul3A_188 : i32
      %add3A_190 = arith.addi %arg1, %mul3A_189 : i32
      %mul3A_191 = arith.constant 80 : i32
      %mul3A_192 = arith.muli %add3A_190, %mul3A_191 : i32
      %add3A_193 = arith.addi %mul3A_0, %mul3A_192 : i32
      %dma_wait3A = arith.constant 0 : i32
      %dma_wait3A_194 = arith.constant 0 : i32
      %dma_wait3A_195 = tpu.memref_slice %arg14[%mul3A_187, %dma_wait3A, %dma_wait3A_194] : memref<6x128x32xf32, #tpu.memory_space<vmem>> -> memref<1x80x32xf32, #tpu.memory_space<vmem>>
      %dma_wait3A_196 = tpu.memref_squeeze %dma_wait3A_195 : memref<1x80x32xf32, #tpu.memory_space<vmem>> -> memref<80x32xf32, #tpu.memory_space<vmem>>
      %dma_wait3A_197 = arith.constant 0 : i32
      %dma_wait3A_198 = tpu.memref_slice %arg7[%add3A_193, %dma_wait3A_197] : memref<100000x32xf32, #tpu.memory_space<hbm>> -> memref<80x32xf32, #tpu.memory_space<hbm>>
      %dma_wait3A_199 = tpu.memref_slice %arg17[%mul3A_187] : memref<6x!tpu.dma_semaphore, #tpu.memory_space<semaphore_mem>> -> memref<1x!tpu.dma_semaphore, #tpu.memory_space<semaphore_mem>>
      %dma_wait3A_200 = tpu.memref_squeeze %dma_wait3A_199 : memref<1x!tpu.dma_semaphore, #tpu.memory_space<semaphore_mem>> -> memref<!tpu.dma_semaphore, #tpu.memory_space<semaphore_mem>>
      %dma_wait3A_201 = arith.constant 0 : i32
      %dma_wait3A_202 = tpu.memref_slice %arg7[%add3A_193, %dma_wait3A_201] : memref<100000x32xf32, #tpu.memory_space<hbm>> -> memref<80x32xf32, #tpu.memory_space<hbm>>
      %dma_wait3A_203 = arith.constant 0 : i32
      %dma_wait3A_204 = arith.constant 0 : i32
      %dma_wait3A_205 = tpu.memref_slice %arg14[%mul3A_187, %dma_wait3A_203, %dma_wait3A_204] : memref<6x128x32xf32, #tpu.memory_space<vmem>> -> memref<1x80x32xf32, #tpu.memory_space<vmem>>
      %dma_wait3A_206 = tpu.memref_squeeze %dma_wait3A_205 : memref<1x80x32xf32, #tpu.memory_space<vmem>> -> memref<80x32xf32, #tpu.memory_space<vmem>>
      tpu.wait_dma2 semaphore(%dma_wait3A_200 : memref<!tpu.dma_semaphore, #tpu.memory_space<semaphore_mem>>) src(%dma_wait3A_206 : memref<80x32xf32, #tpu.memory_space<vmem>>) dst(%dma_wait3A_202 : memref<80x32xf32, #tpu.memory_space<hbm>>)
    } else {
    }
    return
  }
}

</mosaic_0001>

<sc_bundles>
// kernel: _run.3.cloned.1.call-start
scs
__scs_entry_jumppad:
0x0: {  	(pc) =	sbr.rel $0x88, $3  }
0x1: {  	(tag) =	ssettag $0x0;
	lr =	simm.s32 $0x1  }
0x2: {  	[smem:$0x3F9C] =	sst lr;
	_ =	strace $0xD0000000  }
0x3: {  	_ = 	snop  }
0x4: {  	_ = 	snop  }
0x5: {  	_ = 	snop  }
0x6: {  	_ = 	snop  }
0x7: {  	_ = 	snop  }
__scs_overlays_trampoline_lowered:
0x8: {  	[smem:$0x3FAB] =	sst s0  }
0x9: {  	[smem:$0x3FAC] =	sst s1  }
0xa: {  	[smem:$0x3FAD] =	sst s2  }
0xb: {  	[smem:$0x3FAE] =	sst s3  }
0xc: {  	[smem:$0x3FAF] =	sst s4  }
0xd: {  	[smem:$0x3FB0] =	sst s5  }
0xe: {  	[smem:$0x3FB1] =	sst s6  }
0xf: {  	[smem:$0x3FB2] =	sst s7  }
0x10: {  	[smem:$0x3FB3] =	sst s8  }
0x11: {  	[smem:$0x3FB4] =	sst s9;
	s0 =	simm.s32 @!p0 $0x0  }
0x12: {  	s1 =	sld [smem:$0x3F9A];
	s0 =	simm.s32 @p0 $0x1  }
0x13: {  	[smem:$0x3FB5] =	sst s0;
	s0 =	simm.s32 @!p1 $0x0  }
0x14: {  	s2 =	sld [smem:$0x3F99];
	s0 =	simm.s32 @p1 $0x1  }
0x15: {  	[smem:$0x3FB6] =	sst s0;
	s0 =	simm.s32 @!p2 $0x0  }
0x16: {  	s3 =	sld [smem:$0x3FDB];
	s0 =	simm.s32 @p2 $0x1  }
0x17: {  	s4 =	simm.s32 $0x1BF5;
	[smem:$0x3FB8] =	sst s0  }
0x18: {  	s0 =	sld [smem:$0x3F9B];
	_ =	swait.ge [sflag:s4], $0x0  }
0x19: {  	s7 =	sld [smem:$0x3F9C]  }
0x1a: {  	s8 =	sadd.s32 $0xFFFFE003, lr  }
0x1b: {  	s9 =	sadd.s32 $0xFFFFFEF7, lr;
	s5 =	simm.s32 $0xFFFFFFFF;
	p2 =	slt.u32 s8, $0xFFFFF086  }
0x1c: {  	p1 =	slt.u32 s9, $0xF7A;
	s5 =	simm.s32 @!p2 $0x0  }
0x1d: {  	s5 =	simm.s32 @p1 $0x1;
	p0 =	seq.s32 s7, s2  }
0x1e: {  	s7 =	smul.u32 @!p0 $0xF7A, s2;
	p2 =	seq.s32 @!p0 s5, $0x0  }
0x1f: {  	s9 =	smul.u32 $0xF7A, s1;
	s8 =	simm.s32 @!p0 $0x1BF5;
	p2 =	por !p2, p0  }
0x20: {  	[sflag:s8] =	ssyncset.s32 @!p0 $0xFFFFF086;
	s6 =	sadd.s32 @!p0 s3, s7;
	s7 =	simm.s32 @!p0 $0x108  }
0x21: {  	s3 =	sadd.s32 s3, s9;
	s6 =	sadd.s32 @!p0 $0x88, s6;
	s7 =	simm.s32 @p2 $0x1082  }
0x22: {  	[simem:s7], [sflag:s8] =	dma.local @!p0 [hbm:s6], $0xF7A  }
0x23: {  	s9 =	sor.u32 $0xD0000000, s2;
	s6 =	simm.s32 $0x108;
	_ =	swait.ge @!p0 [sflag:s8], $0x0  }
0x24: {  	s3 =	sadd.s32 $0x88, s3;
	s6 =	simm.s32 @!p1 $0x1082;
	[sflag:s4] =	ssyncset.s32 $0xFFFFF086  }
0x25: {  	[simem:s6], [sflag:s4] =	dma.local [hbm:s3], $0xF7A  }
0x26: {  	[smem:$0x3F9C] =	sst s1;
	(tag) =	ssettag s2;
	_ =	strace s9  }
0x27: {  	s1 =	sld [smem:$0x3FAC]  }
0x28: {  	s2 =	sld [smem:$0x3FAD]  }
0x29: {  	s4 =	sld [smem:$0x3FAF]  }
0x2a: {  	p0 =	seq.s32 s5, $0x0;
	s5 =	sld [smem:$0x3FB0]  }
0x2b: {  	s6 =	sld [smem:$0x3FB1]  }
0x2c: {  	s7 =	sld [smem:$0x3FB2]  }
0x2d: {  	s3 =	simm.s32 $0x108;
	s8 =	sld [smem:$0x3FB3]  }
0x2e: {  	s3 =	simm.s32 @!p0 $0x1082;
	s9 =	sld [smem:$0x3FB4]  }
0x2f: {  	lr =	sadd.s32 s0, s3;
	s0 =	sld [smem:$0x3FAB]  }
0x30: {  	s3 =	sld [smem:$0x3FAE]  }
0x31: {  	[smem:$0x3FB7] =	sst s10  }
0x32: {  	s10 =	sld [smem:$0x3FB5];
	_ =	sdelay $0x3  }
0x33: {  	p0 =	seq.s32 s10, $0x1;
	s10 =	sld [smem:$0x3FB7];
	_ =	sdelay $0x3  }
0x34: {  	[smem:$0x3FB7] =	sst s10  }
0x35: {  	s10 =	sld [smem:$0x3FB6];
	_ =	sdelay $0x3  }
0x36: {  	p1 =	seq.s32 s10, $0x1;
	s10 =	sld [smem:$0x3FB7];
	_ =	sdelay $0x3  }
0x37: {  	[smem:$0x3FB7] =	sst s10  }
0x38: {  	s10 =	sld [smem:$0x3FB8]  }
0x39: {  	_ = 	snop;
	(pc) =	sbr.ind lr, $3  }
0x3a: {  	_ = 	snop  }
0x3b: {  	_ = 	snop  }
0x3c: {  	p2 =	seq.s32 s10, $0x1;
	s10 =	sld [smem:$0x3FB7]  }
0x3d: {  	_ =	shalt  }
0x3e: {  	_ =	shalt  }
0x3f: {  	_ =	shalt  }
0x40: {  	_ =	shalt  }
0x41: {  	_ =	shalt  }
0x42: {  	_ =	shalt  }
0x43: {  	_ =	shalt  }
0x44: {  	_ =	shalt  }
0x45: {  	_ =	shalt  }
0x46: {  	_ =	shalt  }
0x47: {  	_ =	shalt  }
0x48: {  	_ =	shalt  }
0x49: {  	_ =	shalt  }
0x4a: {  	_ =	shalt  }
0x4b: {  	_ =	shalt  }
0x4c: {  	_ =	shalt  }
0x4d: {  	_ =	shalt  }
0x4e: {  	_ =	shalt  }
0x4f: {  	_ =	shalt  }
0x50: {  	_ =	shalt  }
0x51: {  	_ =	shalt  }
0x52: {  	_ =	shalt  }
0x53: {  	_ =	shalt  }
0x54: {  	_ =	shalt  }
0x55: {  	_ =	shalt  }
0x56: {  	_ =	shalt  }
0x57: {  	_ =	shalt  }
0x58: {  	_ =	shalt  }
0x59: {  	_ =	shalt  }
0x5a: {  	_ =	shalt  }
0x5b: {  	_ =	shalt  }
0x5c: {  	_ =	shalt  }
0x5d: {  	_ =	shalt  }
0x5e: {  	_ =	shalt  }
0x5f: {  	_ =	shalt  }
0x60: {  	_ =	shalt  }
0x61: {  	_ =	shalt  }
0x62: {  	_ =	shalt  }
0x63: {  	_ =	shalt  }
0x64: {  	_ =	shalt  }
0x65: {  	_ =	shalt  }
0x66: {  	_ =	shalt  }
0x67: {  	_ =	shalt  }
0x68: {  	_ =	shalt  }
0x69: {  	_ =	shalt  }
0x6a: {  	_ =	shalt  }
0x6b: {  	_ =	shalt  }
0x6c: {  	_ =	shalt  }
0x6d: {  	_ =	shalt  }
0x6e: {  	_ =	shalt  }
0x6f: {  	_ =	shalt  }
0x70: {  	_ =	shalt  }
0x71: {  	_ =	shalt  }
0x72: {  	_ =	shalt  }
0x73: {  	_ =	shalt  }
0x74: {  	_ =	shalt  }
0x75: {  	_ =	shalt  }
0x76: {  	_ =	shalt  }
0x77: {  	_ =	shalt  }
0x78: {  	_ =	shalt  }
0x79: {  	_ =	shalt  }
0x7a: {  	_ =	shalt  }
0x7b: {  	_ =	shalt  }
0x7c: {  	_ =	shalt  }
0x7d: {  	_ =	shalt  }
0x7e: {  	_ =	shalt  }
0x7f: {  	_ =	shalt  }
0x80: {  	_ =	shalt  }
0x81: {  	_ =	shalt  }
0x82: {  	_ =	shalt  }
0x83: {  	_ =	shalt  }
0x84: {  	_ =	shalt  }
0x85: {  	_ =	shalt  }
0x86: {  	_ =	shalt  }
0x87: {  	_ =	shalt  }
.Lfunc_end0:
.L_simem_size_0:
called_computation_lowered:
.L_overlay_start_0:
0x88: {  	s2 =	sld [smem:$0x3FD9]  }
0x89: {  	s3 =	sld [smem:$0x3FFE];
	_ =	sdelay $0x1  }
0x8a: {  	s1 =	srdreg.scid  }
0x8b: {  	s0 =	sand.u32 $0x1, s1  }
0x8c: {  	s16 =	sshll.u32 s0, $0xA;
	s2 =	sadd.s32 s3, s2  }
0x8d: {  	s2 =	sadd.s32 s2, s16  }
0x8e: {  	[smem:$0x3FC3] =	sst s2  }
0x8f: {  	_ = 	snop  }
0x90: {  	(tm) =	ssettm $0x1  }
0x91: {  	s17 =	sld [smem:$0x3FFB];
	_ =	sdelay $0x3  }
0x92: {  	_ =	strace s17  }
0x93: {  	s2 =	sld [smem:$0x3FFC];
	_ =	sdelay $0x3  }
0x94: {  	_ =	strace s2  }
0x95: {  	s2 =	sld [smem:$0x3FFD];
	_ =	sdelay $0x3  }
0x96: {  	_ =	strace s2  }
0x97: {  	_ =	strace $0x8FFFFFFF  }
0x98: {  	s18 =	sld [smem:$0x3FDB];
	_ =	sdelay $0x1  }
0x99: {  	s19 =	simm.s32 $_scs_section_size  }
0x9a: {  	s4 =	simm.s32 $_size__tile_overlayer_lowered;
	s5 =	simm.s32 $_tile_overlayer_lowered  }
0x9b: {  	s22 =	simm.s32 $0x1BFF;
	s21 =	sshll.u32 s5, $0x1;
	s2 =	sadd.s32 s19, s18  }
0x9c: {  	s6 =	simm.s32 $0x0;
	s20 =	sshll.u32 s4, $0x1;
	s4 =	sadd.s32 s21, s2  }
0x9d: {  	[timem:s6], [sflag:s22] =	dma.local [hbm:s4], s20  }
0x9e: {  	_ =	swait.ge [sflag:s22], s20  }
0x9f: {  	s3 =	ssub.s32 $0x0, s20;
	[sflag:s22] =	ssyncset.done $0x0  }
0xa0: {  	[sflag:s22] =	ssyncadd.s32 s3;
	_ =	sdelay $0x1  }
0xa1: {  	s23 =	simm.s32 $0x1B8B  }
0xa2: {  	_ =	swait.ge [sflag:s23], $0x1  }
0xa3: {  	[sflag:s23] =	ssyncset.done $0x0  }
0xa4: {  	s25 =	simm.s32 $0x1B8E;
	s24 =	sld [smem:$0x3FFE];
	[sflag:s23] =	ssyncadd.s32 $0xFFFFFFFF  }
0xa5: {  	s26 =	simm.s32 $execute0_lowered;
	[smem:$0x3FD2] =	sst s25  }
0xa6: {  	s4 =	sshll.u32 s26, $0x1;
	_ =	strace $0x80000046;
	[dreg:$0x1] =	wrdreg $0xFFFFFFFF  }
0xa7: {  	s28 =	simm.s32 $_size_execute0_lowered;
	s2 =	sadd.s32 s2, s4;
	[dreg:$0x0] =	wrdreg $0x0  }
0xa8: {  	s4 =	sshll.u32 s28, $0x1;
	[dreg:$0x2] =	wrdreg s2  }
0xa9: {  	[dreg:$0x3] =	wrdreg s4  }
0xaa: {  	[dreg:$0x4] =	wrdreg $0xC0  }
0xab: {  	_ =	task [dreg:s6], $0x5FFFF  }
0xac: {  	[dreg:$0x1] =	wrdreg $0xFFFFFFFF  }
0xad: {  	[dreg:$0x0] =	wrdreg $0x60  }
0xae: {  	[dreg:$0x2] =	wrdreg s24  }
0xaf: {  	[dreg:$0x3] =	wrdreg $0x0  }
0xb0: {  	[dreg:$0x4] =	wrdreg $0x9  }
0xb1: {  	_ =	task.clear_ibuf [dreg:s6], $0x5FFFF;
	_ =	strace $0x90000046  }
0xb2: {  	s29 =	simm.s32 $0x9;
	_ =	strace $0x80000048  }
0xb3: {  	_ =	swait.ge [sflag:s29], $0x1  }
0xb4: {  	[sflag:s29] =	ssyncadd.s32 $0xFFFFFFFF  }
0xb5: {  	_ =	strace $0x90000048  }
0xb6: {  	_ =	sfence  }
0xb7: {  	s30 =	sld [smem:$0x0];
	_ =	sdelay $0x2  }
0xb8: {  	s31 =	sshll.u32 s1, $0xD;
	s1 =	sshrl.u32 s1, $0x2  }
0xb9: {  	s3 =	sand.u32 $0x4000, s31;
	s1 =	sadd.s32 s1, s30  }
0xba: {  	s0 =	sor.u32 s3, s0;
	s1 =	sshll.u32 s1, $0x11  }
0xbb: {  	s0 =	sor.u32 s1, s0  }
0xbc: {  	s0 =	sadd.s32 $0x8F2B, s0  }
0xbd: {  	[sflag:s0] =	ssyncadd.remote.s32 $0x1  }
0xbe: {  	_ =	sfence.sel $0xFFFF  }
0xbf: {  	[dreg:$0x0] =	wrdreg $0xFFFFFFFF;
	(pc) =	sbr.abs _section_cstart, $3  }
0xc0: {  	[dreg:$0x1] =	wrdreg $0xFFFFFFFF  }
0xc1: {  	_ =	task.clear_ibuf [dreg:s6], $0x2FFFF;
	_ =	strace $0x9FFFFFFF  }
0xc2: {  	(tm) =	ssettm $0x7FFFFFFF  }
0xc3: {  	_ =	shalt  }
tec
execute0_lowered:
.L_overlay_start_1:
0x0: {  	(tag) =	ssettag $0x1  }
0x1: {  	s0 =	rddreg [dreg:$0x0]  }
0x2: {  	s1 =	rddreg [dreg:$0x1];
	s2 =	simm.s32 $0x0  }
0x3: {  	s3 =	srdreg.scid;
	s5 =	stileid.u32;
	s9 =	simm.s32 $0x28  }
0x4: {  	s10 =	simm.s32 $0x8;
	s16 =	simm.s32 $0xA;
	s17 =	simm.s32 $0xD  }
0x5: {  	s23 =	simm.s32 $0x2;
	s28 =	simm.s32 $0x0;
	[smem:$0x7FF] =	sst s2  }
0x6: {  	s18 =	sand.u32 $0x1, s3;
	s3 =	sadd.s32 $0xA00, s0;
	s12 =	smul.u32 $0x50, s5  }
0x7: {  	s4 =	sadd.s32 $0xC4A00, s0;
	s6 =	sadd.s32 $0x1200, s0;
	s15 =	smul.u32 $0x2800, s5  }
0x8: {  	s7 =	sadd.s32 $0x62E00, s0;
	p0 =	seq.s32 s5, $0x0;
	s19 =	smul.u32 $0xC800, s5  }
0x9: {  	p1 =	slt.u32 s5, $0xD;
	s11 =	sshll.u32 s5, $0x6;
	s31 =	smul.u32 $0x640, s5  }
0xa: {  	_ =	strace $0x80000047;
	s8 =	ssub.s32 $0x2, s18;
	s9 =	simm.s32 @!p0 $0x27  }
0xb: {  	s10 =	simm.s32 @!p1 $0x7;
	s20 =	smul.u32 $0x30D40, s18;
	s29 =	sshrl.u32 s8, $0x1  }
0xc: {  	s16 =	simm.s32 @!p0 $0xD;
	s0 =	ssub.s32 s8, s29;
	s8 =	smul.u32 $0xC350, s18  }
0xd: {  	s17 =	simm.s32 @!p0 $0xA;
	s15 =	sshrl.u32 s15, $0x2;
	s19 =	sshrl.u32 s19, $0x2  }
0xe: {  	s15 =	sadd.s32 s15, s1;
	s21 =	sadd.s32 s20, s6;
	s13 =	sadd.s32 s12, s8  }
0xf: {  	s22 =	sadd.s32 s20, s7;
	s19 =	sadd.s32 s19, s1;
	s14 =	sshll.u32 s13, $0x2  }
0x10: {  	s18 =	smax.u32 s0, $0x1;
	s20 =	sadd.s32 s31, s21;
	s13 =	sadd.s32 s6, s14  }
0x11: {  	s21 =	sadd.s32 s31, s22;
	s30 =	sadd.s32 s7, s14;
	[dreg:$0x3] =	wrdreg s13  }
0x12: {  	s22 =	simm.s32 $0x1;
	s12 =	sor.u32 $0x1C01, s11;
	[dreg:$0x4] =	wrdreg s30  }
.LBB2_1:
0x13: {  	p0 =	sne.s32 s10, $0x1  }
.Ltmp0:
0x14: {  	_ = 	snop;
	(pc) =	sbr.rel @!p0 .LBB2_3-.Ltmp0, $2  }
0x15: {  	_ =	sdelay $0x2  }
0x16: {  	s0 =	sadd.s32 $0xFFFFFFFF, s10;
	s25 =	sshrl.u32 s19, $0x3;
	s24 =	sadd.s32 $0x32000, s19  }
.LBB2_2:
0x17: {  	[spmem:s25], [sflag:s12] =	dma.local [hbm:s3], $0x640  }
0x18: {  	p1 =	sne.s32 s0, $0x1  }
.Ltmp1:
0x19: {  	s0 =	sadd.s32 $0xFFFFFFFF, s0;
	(pc) =	sbr.rel @p1 .LBB2_2-.Ltmp1, $2  }
0x1a: {  	_ =	sdelay $0x2  }
0x1b: {  	s25 =	sshrl.u32 s24, $0x3;
	s24 =	sadd.s32 $0x32000, s24  }
.LBB2_3:
.Ltmp2:
0x1c: {  	(pc) =	sbr.rel @!p0 .LBB2_5-.Ltmp2, $4  }
0x1d: {  	_ = 	snop  }
0x1e: {  	[spmem:s25], [sflag:s12] =	dma.local [hbm:s3], $0x640  }
0x1f: {  	_ =	swait.ge [sflag:s22], $0x640  }
0x20: {  	s0 =	sadd.s32 $0xFFFFFFFF, s10;
	[sflag:s22] =	ssyncset.done $0x0  }
.LBB2_4:
0x21: {  	p1 =	sne.s32 s0, $0x1;
	s0 =	sadd.s32 $0xFFFFFFFF, s0;
	[sflag:s22] =	ssyncadd.s32 $0xFFFFF9C0  }
.Ltmp3:
0x22: {  	(pc) =	sbr.rel @p1 .LBB2_4-.Ltmp3, $3  }
0x23: {  	_ =	sdelay $0x1  }
0x24: {  	_ =	swait.ge [sflag:s22], $0x640  }
0x25: {  	[sflag:s22] =	ssyncset.done $0x0  }
.LBB2_5:
.Ltmp4:
0x26: {  	(pc) =	sbr.rel @!p0 .LBB2_7-.Ltmp4, $4  }
0x27: {  	[sflag:s22] =	ssyncadd.s32 $0xFFFFF9C0;
	s29 =	sor.u32 $0x1C02, s11  }
0x28: {  	s0 =	sshrl.u32 s19, $0x3;
	s24 =	sadd.s32 $0xFFFFFFFF, s10;
	[bflag:$0x0] =	sbarrier.arrive $0xFFFF  }
0x29: {  	s25 =	smov.u32 s20;
	s30 =	smov.u32 s19;
	[bflag:$0x0] =	sbarrier.arrive $0xFFFF  }
0x2a: {  	[hbm:s20], [sflag:s29] =	dma.local [spmem:s0], $0x640  }
.LBB2_6:
0x2b: {  	p1 =	sne.s32 s24, $0x1  }
.Ltmp5:
0x2c: {  	_ = 	snop;
	(pc) =	sbr.rel @p1 .LBB2_6-.Ltmp5, $4  }
0x2d: {  	_ = 	snop  }
0x2e: {  	s29 =	sor.u32 $0x1C02, s11;
	s25 =	sadd.s32 $0x6400, s25;
	s30 =	sadd.s32 $0x32000, s30  }
0x2f: {  	s24 =	sadd.s32 $0xFFFFFFFF, s24;
	s31 =	sshrl.u32 s30, $0x3  }
0x30: {  	[hbm:s25], [sflag:s29] =	dma.local [spmem:s31], $0x640  }
.LBB2_7:
.Ltmp6:
0x31: {  	(pc) =	sbr.rel @!p0 .LBB2_9-.Ltmp6, $3  }
0x32: {  	_ =	sdelay $0x1  }
0x33: {  	_ =	swait.ge [sflag:s23], $0x640  }
0x34: {  	s24 =	sadd.s32 $0xFFFFFFFF, s10;
	[sflag:s23] =	ssyncset.done $0x0  }
.LBB2_8:
0x35: {  	p1 =	sne.s32 s24, $0x1;
	s24 =	sadd.s32 $0xFFFFFFFF, s24;
	[sflag:s23] =	ssyncadd.s32 $0xFFFFF9C0  }
.Ltmp7:
0x36: {  	(pc) =	sbr.rel @p1 .LBB2_8-.Ltmp7, $3  }
0x37: {  	_ =	sdelay $0x1  }
0x38: {  	_ =	swait.ge [sflag:s23], $0x640  }
0x39: {  	[sflag:s23] =	ssyncset.done $0x0  }
.LBB2_9:
.Ltmp8:
0x3a: {  	(pc) =	sbr.rel @!p0 .LBB2_11-.Ltmp8, $4  }
0x3b: {  	_ = 	snop  }
0x3c: {  	[sflag:s23] =	ssyncadd.s32 $0xFFFFF9C0  }
0x3d: {  	[bflag:$0x0] =	sbarrier.arrive $0xFFFF  }
0x3e: {  	s24 =	sadd.s32 $0xFFFFFFFF, s10;
	s25 =	sadd.s32 $0x32000, s19  }
.LBB2_10:
0x3f: {  	[spmem:s0], [sflag:s12] =	dma.local [hbm:s3], $0x640  }
0x40: {  	p1 =	sne.s32 s24, $0x1  }
.Ltmp9:
0x41: {  	s24 =	sadd.s32 $0xFFFFFFFF, s24;
	(pc) =	sbr.rel @p1 .LBB2_10-.Ltmp9, $2  }
0x42: {  	_ =	sdelay $0x2  }
0x43: {  	s0 =	sshrl.u32 s25, $0x3;
	s25 =	sadd.s32 $0x32000, s25  }
.LBB2_11:
.Ltmp10:
0x44: {  	(pc) =	sbr.rel @!p0 .LBB2_13-.Ltmp10, $4  }
0x45: {  	_ = 	snop  }
0x46: {  	[spmem:s0], [sflag:s12] =	dma.local [hbm:s3], $0x640  }
0x47: {  	_ =	swait.ge [sflag:s22], $0x640  }
0x48: {  	s0 =	sadd.s32 $0xFFFFFFFF, s10;
	[sflag:s22] =	ssyncset.done $0x0  }
.LBB2_12:
0x49: {  	p1 =	sne.s32 s0, $0x1;
	s0 =	sadd.s32 $0xFFFFFFFF, s0;
	[sflag:s22] =	ssyncadd.s32 $0xFFFFF9C0  }
.Ltmp11:
0x4a: {  	(pc) =	sbr.rel @p1 .LBB2_12-.Ltmp11, $3  }
0x4b: {  	_ =	sdelay $0x1  }
0x4c: {  	_ =	swait.ge [sflag:s22], $0x640  }
0x4d: {  	[sflag:s22] =	ssyncset.done $0x0  }
.LBB2_13:
.Ltmp12:
0x4e: {  	(pc) =	sbr.rel @!p0 .LBB2_15-.Ltmp12, $4  }
0x4f: {  	[sflag:s22] =	ssyncadd.s32 $0xFFFFF9C0  }
0x50: {  	[bflag:$0x0] =	sbarrier.arrive $0xFFFF  }
0x51: {  	s0 =	sadd.s32 $0xFFFFFFFF, s10;
	s31 =	sshrl.u32 s19, $0x3;
	[bflag:$0x0] =	sbarrier.arrive $0xFFFF  }
0x52: {  	s24 =	sadd.s32 $0x6400, s21;
	s25 =	sadd.s32 $0x32000, s19;
	s30 =	smov.u32 s21  }
.LBB2_14:
0x53: {  	[hbm:s30], [sflag:s29] =	dma.local [spmem:s31], $0x640  }
0x54: {  	p1 =	sne.s32 s0, $0x1  }
.Ltmp13:
0x55: {  	s0 =	sadd.s32 $0xFFFFFFFF, s0;
	(pc) =	sbr.rel @p1 .LBB2_14-.Ltmp13, $2  }
0x56: {  	s30 =	smov.u32 s24;
	_ =	sdelay $0x2  }
0x57: {  	s31 =	sshrl.u32 s25, $0x3;
	s24 =	sadd.s32 $0x6400, s24;
	s25 =	sadd.s32 $0x32000, s25  }
.LBB2_15:
.Ltmp14:
0x58: {  	(pc) =	sbr.rel @!p0 .LBB2_17-.Ltmp14, $4  }
0x59: {  	_ = 	snop  }
0x5a: {  	[hbm:s30], [sflag:s29] =	dma.local [spmem:s31], $0x640  }
0x5b: {  	_ =	swait.ge [sflag:s23], $0x640  }
0x5c: {  	s0 =	sadd.s32 $0xFFFFFFFF, s10;
	[sflag:s23] =	ssyncset.done $0x0  }
.LBB2_16:
0x5d: {  	p1 =	sne.s32 s0, $0x1;
	s0 =	sadd.s32 $0xFFFFFFFF, s0;
	[sflag:s23] =	ssyncadd.s32 $0xFFFFF9C0  }
.Ltmp15:
0x5e: {  	(pc) =	sbr.rel @p1 .LBB2_16-.Ltmp15, $3  }
0x5f: {  	_ =	sdelay $0x1  }
0x60: {  	_ =	swait.ge [sflag:s23], $0x640  }
0x61: {  	[sflag:s23] =	ssyncset.done $0x0  }
.LBB2_17:
.Ltmp16:
0x62: {  	(pc) =	sbr.rel @!p0 .LBB2_19-.Ltmp16, $4  }
0x63: {  	_ = 	snop  }
0x64: {  	[sflag:s23] =	ssyncadd.s32 $0xFFFFF9C0  }
0x65: {  	[bflag:$0x0] =	sbarrier.arrive $0xFFFF  }
0x66: {  	s0 =	sadd.s32 $0xFFFFFFFF, s10;
	s25 =	sshrl.u32 s19, $0x3;
	s24 =	sadd.s32 $0x32000, s19  }
.LBB2_18:
0x67: {  	[spmem:s25], [sflag:s12] =	dma.local [hbm:s3], $0x640  }
0x68: {  	p1 =	sne.s32 s0, $0x1  }
.Ltmp17:
0x69: {  	s0 =	sadd.s32 $0xFFFFFFFF, s0;
	(pc) =	sbr.rel @p1 .LBB2_18-.Ltmp17, $2  }
0x6a: {  	_ =	sdelay $0x2  }
0x6b: {  	s25 =	sshrl.u32 s24, $0x3;
	s24 =	sadd.s32 $0x32000, s24  }
.LBB2_19:
.Ltmp18:
0x6c: {  	(pc) =	sbr.rel @!p0 .LBB2_21-.Ltmp18, $4  }
0x6d: {  	_ = 	snop  }
0x6e: {  	[spmem:s25], [sflag:s12] =	dma.local [hbm:s3], $0x640  }
0x6f: {  	_ =	swait.ge [sflag:s22], $0x640  }
0x70: {  	s0 =	sadd.s32 $0xFFFFFFFF, s10;
	[sflag:s22] =	ssyncset.done $0x0  }
.LBB2_20:
0x71: {  	p0 =	sne.s32 s0, $0x1;
	s0 =	sadd.s32 $0xFFFFFFFF, s0;
	[sflag:s22] =	ssyncadd.s32 $0xFFFFF9C0  }
.Ltmp19:
0x72: {  	(pc) =	sbr.rel @p0 .LBB2_20-.Ltmp19, $3  }
0x73: {  	_ =	sdelay $0x1  }
0x74: {  	_ =	swait.ge [sflag:s22], $0x640  }
0x75: {  	[sflag:s22] =	ssyncset.done $0x0  }
.LBB2_21:
0x76: {  	[sflag:s22] =	ssyncadd.s32 $0xFFFFF9C0  }
0x77: {  	[bflag:$0x0] =	sbarrier.arrive $0xFFFF  }
0x78: {  	[bflag:$0x0] =	sbarrier.arrive $0xFFFF  }
0x79: {  	s30 =	simm.s32 $0x0;
	s13 =	simm.s32 $0x186A0;
	s0 =	rddreg [dreg:$0x3]  }
0x7a: {  	[tilespmem:s13], [sflag:$0x4] =	stream.linear.gather [hbm4b:s0+s30], $0xA00, $0x38;
	[tilespmem:$0x1E6A0] =	vst v63  }
0x7b: {  	s29 =	simm.s32 $0x196A0;
	s26 =	rddreg [dreg:$0x4]  }
0x7c: {  	[tilespmem:s29], [sflag:$0x5] =	stream.linear.gather [hbm4b:s26+s30], $0xA00, $0x38;
	[tilespmem:$0x1E6A0] =	vst v63  }
0x7d: {  	s31 =	simm.s32 $0x1A6A0  }
0x7e: {  	[tilespmem:s31], [sflag:$0x6] =	stream.linear.gather [spmem:s15], $0xA00, $0x38;
	[tilespmem:$0x1E6A0] =	vst v63  }
.LBB2_22:
0x7f: {  	s29 =	sadd.s32 $0x1, s30  }
0x80: {  	s0 =	sand.u32 $0x1, s30;
	p0 =	sge.u32 s29, s9  }
0x81: {  	p1 =	seq.s32 s0, $0x1;
	s0 =	sshll.u32 @!p0 s29, $0x4  }
0x82: {  	s31 =	simm.s32 $0x3;
	s0 =	sor.u32 @!p0 s5, s0  }
0x83: {  	s31 =	simm.s32 @!p1 $0x0;
	p1 =	seq.s32 @!p0 s30, $0x0;
	s25 =	smul.u32 @!p0 $0x50, s0  }
0x84: {  	s24 =	sxor.u32 $0x3, s31;
	p1 =	por p1, p0  }
0x85: {  	s14 =	simm.s32 @!p0 $0x0;
	s26 =	sadd.s32 @!p1 $0xA, s24;
	s25 =	sadd.s32 @!p0 s8, s25  }
0x86: {  	s13 =	sshll.u32 @!p0 s24, $0xC;
	_ =	swait.ge @!p1 [sflag:s26], $0xA00;
	s25 =	sshll.u32 @!p0 s25, $0x2  }
0x87: {  	s24 =	sor.u32 @!p0 $0x4, s24;
	[sflag:s26] =	ssyncset.done @!p1 $0x0;
	s25 =	sand.u32 @!p0 $0x1FFFFFC0, s25  }
0x88: {  	s13 =	sor.u32 @!p0 $0x186A0, s13;
	[sflag:s26] =	ssyncadd.s32 @!p1 $0xFFFFF600;
	s26 =	sadd.s32 @!p0 s6, s25  }
0x89: {  	[tilespmem:s13], [sflag:s24] =	stream.linear.gather @!p0 [hbm4b:s26+s14], $0xA00, $0x38;
	[tilespmem:$0x1E6A0] =	vst v63  }
0x8a: {  	s13 =	ssub.s32 @!p0 $0x4, s31  }
0x8b: {  	s0 =	smul.u32 @!p0 $0x2800, s0;
	s13 =	sshll.u32 @!p0 s13, $0xC  }
0x8c: {  	s25 =	sadd.s32 @!p0 s7, s25;
	s24 =	ssub.s32 @!p0 $0x8, s31;
	s13 =	sor.u32 @!p0 $0x186A0, s13  }
0x8d: {  	[tilespmem:s13], [sflag:s24] =	stream.linear.gather @!p0 [hbm4b:s25+s14], $0xA00, $0x38;
	[tilespmem:$0x1E6A0] =	vst v63  }
0x8e: {  	s0 =	sshra.s32 @!p0 s0, $0x2;
	s13 =	ssub.s32 @!p0 $0x5, s31  }
0x8f: {  	s0 =	sadd.s32 @!p0 s0, s1;
	s13 =	sshll.u32 @!p0 s13, $0xC  }
0x90: {  	s26 =	sor.u32 $0x4, s31;
	s14 =	ssub.s32 @!p0 $0x9, s31;
	s13 =	sor.u32 @!p0 $0x186A0, s13  }
0x91: {  	[tilespmem:s13], [sflag:s14] =	stream.linear.gather @!p0 [spmem:s0], $0xA00, $0x38;
	[tilespmem:$0x1E6A0] =	vst v63  }
0x92: {  	_ =	swait.ge [sflag:s26], $0xA00  }
0x93: {  	[sflag:s26] =	ssyncset.done $0x0  }
0x94: {  	s24 =	sshll.u32 s31, $0xC;
	s13 =	sadd.s32 $0x5, s31;
	[sflag:s26] =	ssyncadd.s32 $0xFFFFF600  }
0x95: {  	s25 =	sadd.s32 $0x1A6B0, s24;
	_ =	swait.ge [sflag:s13], $0xA00  }
0x96: {  	v0 =	vmov s25;
	[sflag:s13] =	ssyncset.done $0x0  }
0x97: {  	s26 =	sadd.s32 $0x6, s31;
	[sflag:s13] =	ssyncadd.s32 $0xFFFFF600  }
0x98: {  	_ =	swait.ge [sflag:s26], $0xA00  }
0x99: {  	[sflag:s26] =	ssyncset.done $0x0  }
0x9a: {  	s0 =	simm.s32 $0x0;
	[sflag:s26] =	ssyncadd.s32 $0xFFFFF600  }
0x9b: {  	v1 =	vld.idx.msk [tilespmem:v0+s0+$0xFFFFDFF0 ss:$0x1], $0xffff  }
0x9c: {  	v2 =	vld.idx.msk [tilespmem:v0+s0+$0xFFFFEFF0 ss:$0x1], $0xffff;
	_ =	sdelay $0x1  }
0x9d: {  	v3 =	vld.idx.msk [tilespmem:v0+s0+$0xFFFFFFF0 ss:$0x1], $0xffff;
	_ =	sdelay $0x2  }
0x9e: {  	v1 =	vadd.f32 v2, v1;
	_ =	sdelay $0x1  }
0x9f: {  	v1 =	vadd.f32 v3, v1;
	_ =	sdelay $0x1  }
0xa0: {  	v1 =	vmul.f32 $3.333333430e-01, v1;
	_ =	sdelay $0x1  }
0xa1: {  	[tilespmem:v0+s0+$0xFFFFDFF0 ss:$0x1] =	vst.idx.msk $0xffff, v1  }
0xa2: {  	v1 =	vld.idx.msk [tilespmem:v0+s0+$0xFFFFE000 ss:$0x1], $0xffff  }
0xa3: {  	v2 =	vld.idx.msk [tilespmem:v0+s0+$0xFFFFF000 ss:$0x1], $0xffff;
	_ =	sdelay $0x1  }
0xa4: {  	v3 =	vld.idx.msk [tilespmem:v0+s0+$0x0 ss:$0x1], $0xffff;
	_ =	sdelay $0x2  }
0xa5: {  	v1 =	vadd.f32 v2, v1;
	_ =	sdelay $0x1  }
0xa6: {  	s24 =	sor.u32 $0x186A0, s24;
	s25 =	simm.s32 $0x80;
	v1 =	vadd.f32 v3, v1  }
.LBB2_23:
0xa7: {  	p0 =	sne.s32 s25, $0x2780;
	s13 =	smov.u32 s25;
	s25 =	sadd.s32 $0x80, s25  }
0xa8: {  	v1 =	vmul.f32 $3.333333430e-01, v1  }
0xa9: {  	s13 =	sshra.s32 s13, $0x2  }
0xaa: {  	[tilespmem:v0+s0+$0xFFFFE000 ss:$0x1] =	vst.idx.msk $0xffff, v1;
	s0 =	smov.u32 s13  }
0xab: {  	v1 =	vld.idx.msk [tilespmem:v0+s0+$0xFFFFDFF0 ss:$0x1], $0xffff  }
0xac: {  	v2 =	vld.idx.msk [tilespmem:v0+s0+$0xFFFFEFF0 ss:$0x1], $0xffff;
	_ =	sdelay $0x1  }
0xad: {  	v3 =	vld.idx.msk [tilespmem:v0+s0+$0xFFFFFFF0 ss:$0x1], $0xffff;
	_ =	sdelay $0x3  }
0xae: {  	v1 =	vadd.f32 v2, v1;
	_ =	sdelay $0x1  }
0xaf: {  	v1 =	vadd.f32 v3, v1;
	_ =	sdelay $0x1  }
0xb0: {  	v1 =	vmul.f32 $3.333333430e-01, v1;
	_ =	sdelay $0x1  }
0xb1: {  	[tilespmem:v0+s0+$0xFFFFDFF0 ss:$0x1] =	vst.idx.msk $0xffff, v1  }
0xb2: {  	v1 =	vld.idx.msk [tilespmem:v0+s0+$0xFFFFE000 ss:$0x1], $0xffff  }
0xb3: {  	v2 =	vld.idx.msk [tilespmem:v0+s0+$0xFFFFF000 ss:$0x1], $0xffff;
	_ =	sdelay $0x1  }
0xb4: {  	v3 =	vld.idx.msk [tilespmem:v0+s0+$0x0 ss:$0x1], $0xffff;
	_ =	sdelay $0x1  }
.Ltmp20:
0xb5: {  	(pc) =	sbr.rel @p0 .LBB2_23-.Ltmp20, $3  }
0xb6: {  	_ = 	snop  }
0xb7: {  	v1 =	vadd.f32 v2, v1;
	_ =	sdelay $0x1  }
0xb8: {  	v1 =	vadd.f32 v3, v1  }
0xb9: {  	s13 =	sshll.u32 s30, $0x4  }
0xba: {  	s13 =	sor.u32 s5, s13  }
0xbb: {  	p0 =	sne.s32 s29, s9;
	s13 =	smul.u32 $0x50, s13  }
.Ltmp21:
0xbc: {  	_ = 	snop;
	(pc) =	sbr.rel @p0 .LBB2_22-.Ltmp21, $4  }
0xbd: {  	v1 =	vmul.f32 $3.333333430e-01, v1;
	s13 =	sadd.s32 s8, s13  }
0xbe: {  	s13 =	sshll.u32 s13, $0x2  }
0xbf: {  	s31 =	sadd.s32 $0xA, s31;
	s30 =	smov.u32 s29;
	[tilespmem:v0+s0+$0xFFFFE000 ss:$0x1] =	vst.idx.msk $0xffff, v1;
	s13 =	sadd.s32 s4, s13  }
0xc0: {  	[hbm4b:s13+s2] =	stream.linear.scatter [tilespmem:s24], [sflag:s31], $0xA00, $0x38;
	[tilespmem:$0x1E6A0] =	vst v63  }
0xc1: {  	s28 =	sadd.s32 $0x1, s28  }
0xc2: {  	_ =	swait.ge [sflag:s16], $0xA00;
	p0 =	sne.s32 s28, s18  }
.Ltmp22:
0xc3: {  	[sflag:s16] =	ssyncset.done $0x0;
	(pc) =	sbr.rel @p0 .LBB2_1-.Ltmp22, $4  }
0xc4: {  	[sflag:s16] =	ssyncadd.s32 $0xFFFFF600  }
0xc5: {  	_ =	swait.ge [sflag:s17], $0xA00  }
0xc6: {  	[sflag:s17] =	ssyncset.done $0x0  }
0xc7: {  	[sflag:s17] =	ssyncadd.s32 $0xFFFFF600  }
0xc8: {  	_ =	sfence.sel $0x180000  }
0xc9: {  	[bflag:$0x0] =	sbarrier.arrive $0xFFFF  }
0xca: {  	_ =	strace $0x90000047  }
0xcb: {  	[bflag:$0x2] =	sbarrier.arrive $0xFFFF  }
0xcc: {  	p0 =	sne.s32 s5, $0x0;
	s0 =	rddreg [dreg:$0x2]  }
0xcd: {  	s0 =	sadd.s32 @!p0 $0x100000, s0  }
0xce: {  	[sflag:s0] =	ssyncadd.tile.s32 @!p0 $0x1;
	_ =	shalt  }
.Lfunc_end2:
_tile_overlayer_lowered:
.L_overlay_start_2:
0xcf: {  	(tag) =	ssettag $0x2  }
0xd0: {  	s0 =	rddreg [dreg:$0x0];
	s2 =	stileid.u32  }
0xd1: {  	s1 =	rddreg [dreg:$0x1];
	p0 =	sne.s32 s2, $0x0  }
0xd2: {  	s3 =	rddreg [dreg:$0x2];
	[bflag:$0x3] =	sbarrier.arrive $0xFFFF;
	s2 =	simm.s32 @!p0 $0x1C10  }
0xd3: {  	[timem:s3], [sflag:s2] =	dma.local @!p0 [hbm:s0], s1  }
0xd4: {  	s0 =	simm.s32 @!p0 $0x10  }
0xd5: {  	_ =	swait.ge @!p0 [sflag:s0], s1  }
0xd6: {  	s1 =	ssub.s32 @!p0 $0x0, s1;
	[sflag:s0] =	ssyncset.done @!p0 $0x0  }
0xd7: {  	[sflag:s0] =	ssyncadd.s32 @!p0 s1  }
0xd8: {  	[bflag:$0x3] =	sbarrier.arrive $0xFFFF  }
0xd9: {  	_ =	shalt  }

</sc_bundles>
